<compile_context>
chip_gen: v7x
topology: tpu7x:2x2x1
jax: 0.10.2.dev20260603
libtpu: 0.0.44.dev20260713+nightly
codegen_flags: <defaults>
</compile_context>

<pallas_src>
import functools
import jax
import jax.numpy as jnp
from jax import lax
from jax.experimental import pallas as pl
from jax.experimental.pallas import tpu as pltpu, tpu_sc as plsc

N_COLS = 16384
N_ROWS = 8192
L = 16
UNROLL = 16
NBUF = 3


def kernel(x, perm_param):
    info = plsc.get_sparse_core_info()
    nc, ns = info.num_cores, info.num_subcores
    nw = nc * ns
    rows_per_w = N_ROWS // nw
    mesh = plsc.VectorSubcoreMesh(core_axis_name="c", subcore_axis_name="s")

    @functools.partial(
        pl.kernel,
        out_type=(
            jax.ShapeDtypeStruct((N_ROWS, N_COLS), jnp.float32),
            jax.ShapeDtypeStruct((N_COLS,), jnp.int32),
        ),
        mesh=mesh,
        compiler_params=pltpu.CompilerParams(needs_layout_passes=False),
        scratch_types=[
            pltpu.VMEM((N_COLS,), jnp.int32),
            pltpu.VMEM((N_COLS // 2,), jnp.int32),
            [pltpu.VMEM((N_COLS,), jnp.float32) for _ in range(NBUF)],
            [pltpu.VMEM((N_COLS,), jnp.float32) for _ in range(NBUF)],
            [pltpu.SemaphoreType.DMA for _ in range(NBUF)],
            [pltpu.SemaphoreType.DMA for _ in range(NBUF)],
        ],
    )
    def run(x_hbm, p_hbm, out_hbm, pidx_hbm, idx_v, idx16_v, inb, outb, sin,
            sout):
        wid = lax.axis_index("s") * nc + lax.axis_index("c")

        pltpu.sync_copy(p_hbm, inb[0])

        @plsc.parallel_loop(0, N_COLS, step=L)
        def _(base):
            pv = inb[0][pl.ds(base, L)].astype(jnp.int32)
            plsc.store_scatter(idx_v, [pv], lax.iota(jnp.int32, L) + base)

        @pl.when(wid == 0)
        def _():
            pltpu.sync_copy(idx_v, pidx_hbm)

        @plsc.parallel_loop(0, N_COLS, step=2 * L)
        def _(base):
            a = idx_v[pl.ds(base, L)]
            b = idx_v[pl.ds(base + L, L)]
            idx16_v[pl.ds(base // 2, L)] = a | (b << 16)

        row0 = wid * rows_per_w

        def permute_row(src, dst):
            @plsc.parallel_loop(0, N_COLS, step=2 * L, unroll=UNROLL // 2)
            def _(off):
                ab = idx16_v[pl.ds(off // 2, L)]
                ia = ab & 0xFFFF
                ib = lax.shift_right_logical(ab, 16)
                dst[pl.ds(off, L)] = plsc.load_gather(src, [ia])
                dst[pl.ds(off + L, L)] = plsc.load_gather(src, [ib])

        def do_row(r, b, lookahead):
            row = row0 + r
            pltpu.make_async_copy(x_hbm.at[row], inb[b], sin[b]).wait()

            @pl.when(r >= NBUF)
            def _():
                pltpu.make_async_copy(outb[b], out_hbm.at[row], sout[b]).wait()

            permute_row(inb[b], outb[b])
            pltpu.async_copy(outb[b], out_hbm.at[row], sout[b])
            if lookahead:
                @pl.when(r + NBUF < rows_per_w)
                def _():
                    pltpu.async_copy(x_hbm.at[row + NBUF], inb[b], sin[b])

        for b in range(NBUF):
            pltpu.async_copy(x_hbm.at[row0 + b], inb[b], sin[b])

        n_full = (rows_per_w // NBUF) * NBUF

        def group_body(g, _):
            for b in range(NBUF):
                do_row(g * NBUF + b, b, True)
            return 0

        lax.fori_loop(0, n_full // NBUF, group_body, 0)

        for r in range(n_full, rows_per_w):
            do_row(r, r % NBUF, False)

        for b in range(NBUF):
            row = row0 + rows_per_w - 1 - (rows_per_w - 1 - b) % NBUF
            pltpu.make_async_copy(outb[b], out_hbm.at[row], sout[b]).wait()

    return run(x, perm_param)

# --- scband reference (transcript-rebuilt; emitter-appended) ---
"""Pipeline reference for scband-hard-permutation-layer-40896678592747 (READ-ONLY COPY).

The authoritative reference and input builder live on the scoring server;
editing this copy changes nothing except your own understanding.
"""

import jax, jax.numpy as jnp
import numpy as np

NUM_INPUTS = 16384
BATCH = 8192

def setup_inputs(seed: int = 0) -> dict:
    key = jax.random.key(seed)
    k1, k2 = jax.random.split(key)
    x = jax.random.normal(k1, (BATCH, NUM_INPUTS), dtype=jnp.float32)
    # learned parameter: a float random permutation of [0, num_inputs)
    perm_param = jax.random.permutation(k2, NUM_INPUTS).astype(jnp.float32)
    return {"x": x, "perm_param": perm_param}

def reference(x, perm_param):
    # HardPermutationLayer.forward: hard permutation via argsort of learned indices
    perm_indices = jnp.argsort(perm_param)
    x_permuted = x[:, perm_indices]
    return (x_permuted, perm_indices)

if __name__ == "__main__":
    import jax
    _d = setup_inputs()
    print(jax.jit(kernel)(*tuple(_d.values())))

</pallas_src>

<mosaic_0001>
#map = affine_map<(d0, d1) -> (0, 0)>
#map1 = affine_map<(d0, d1) -> (0)>
module attributes {stable_mosaic.version = 14 : i64} {
  func.func @run(%arg0: i32, %arg1: i32, %arg2: memref<8192x16384xf32, #tpu.memory_space<hbm>>, %arg3: memref<16384xf32, #tpu.memory_space<hbm>>, %arg4: memref<8192x16384xf32, #tpu.memory_space<hbm>>, %arg5: memref<16384xi32, #tpu.memory_space<hbm>>, %arg6: memref<16384xi32, #tpu.memory_space<vmem>>, %arg7: memref<8192xi32, #tpu.memory_space<vmem>>, %arg8: memref<16384xf32, #tpu.memory_space<vmem>>, %arg9: memref<16384xf32, #tpu.memory_space<vmem>>, %arg10: memref<16384xf32, #tpu.memory_space<vmem>>, %arg11: memref<16384xf32, #tpu.memory_space<vmem>>, %arg12: memref<16384xf32, #tpu.memory_space<vmem>>, %arg13: memref<16384xf32, #tpu.memory_space<vmem>>, %arg14: memref<!tpu.dma_semaphore, #tpu.memory_space<semaphore_mem>>, %arg15: memref<!tpu.dma_semaphore, #tpu.memory_space<semaphore_mem>>, %arg16: memref<!tpu.dma_semaphore, #tpu.memory_space<semaphore_mem>>, %arg17: memref<!tpu.dma_semaphore, #tpu.memory_space<semaphore_mem>>, %arg18: memref<!tpu.dma_semaphore, #tpu.memory_space<semaphore_mem>>, %arg19: memref<!tpu.dma_semaphore, #tpu.memory_space<semaphore_mem>>) attributes {dimension_semantics = [#tpu.dimension_semantics<core_parallel>, #tpu.dimension_semantics<subcore_parallel>], iteration_bounds = array<i64: 2, 16>, scalar_prefetch = 0 : i64, scratch_operands = 14 : i64, tpu.core_type = #tpu.core_type<sc_vector_subcore>, window_params = [{transform_indices = #map}, {transform_indices = #map1}, {transform_indices = #map}, {transform_indices = #map1}]} {
    %mul3A = arith.constant 2 : i32
    %mul3A_0 = arith.muli %arg1, %mul3A : i32
    %add3A = arith.addi %mul3A_0, %arg0 : i32
    "tpu.region"() ({
      %run_scoped3A = tpu.sem_alloc : memref<!tpu.dma_semaphore, #tpu.memory_space<semaphore_mem>>
      tpu.enqueue_dma source(%arg3 : memref<16384xf32, #tpu.memory_space<hbm>>) target(%arg8 : memref<16384xf32, #tpu.memory_space<vmem>>) target_semaphore(%run_scoped3A : memref<!tpu.dma_semaphore, #tpu.memory_space<semaphore_mem>>)
      tpu.wait_dma2 semaphore(%run_scoped3A : memref<!tpu.dma_semaphore, #tpu.memory_space<semaphore_mem>>) src(%arg3 : memref<16384xf32, #tpu.memory_space<hbm>>) dst(%arg8 : memref<16384xf32, #tpu.memory_space<vmem>>)
      tpu.yield
    }) : () -> ()
    %parallel_loop3A = arith.constant 0 : i32
    %parallel_loop3A_1 = arith.constant 16384 : i32
    %parallel_loop3A_2 = arith.constant 16 : i32
    scf.for %parallel_loop3A_96 = %parallel_loop3A to %parallel_loop3A_1 step %parallel_loop3A_2  : i32 {
      %parallel_loop3A_97 = arith.index_cast %parallel_loop3A_96 : i32 to index
      %parallel_loop3A_98 = tpu.vector_load %arg8[%parallel_loop3A_97] {strides = array<i32>} : memref<16384xf32, #tpu.memory_space<vmem>>, vector<16xf32>,
      %parallel_loop3A_99 = arith.fptosi %parallel_loop3A_98 : vector<16xf32> to vector<16xi32>
      %parallel_loop3A_100 = tpu.iota {dimensions = array<i32: 0>} : vector<16xi32>
      %parallel_loop3A_101 = vector.broadcast %parallel_loop3A_96 : i32 to vector<16xi32>
      %parallel_loop3A_102 = arith.addi %parallel_loop3A_100, %parallel_loop3A_101 : vector<16xi32>
      tpu.vector_store_idx %arg6[%parallel_loop3A_99], %parallel_loop3A_102 : memref<16384xi32, #tpu.memory_space<vmem>>[vector<16xi32>], vector<16xi32>,
    } {sc.loop_unroll_factor = 1 : i64, sc.parallel_access}
    %eq3A = arith.constant 0 : i32
    %eq3A_3 = arith.cmpi eq, %add3A, %eq3A : i32
    %convert_element_type3A = arith.extui %eq3A_3 : i1 to i32
    %cond3A = arith.constant 0 : i32
    %cond3A_4 = arith.cmpi ne, %convert_element_type3A, %cond3A : i32
    scf.if %cond3A_4 {
      "tpu.region"() ({
        %run_scoped3A = tpu.sem_alloc : memref<!tpu.dma_semaphore, #tpu.memory_space<semaphore_mem>>
        tpu.enqueue_dma source(%arg6 : memref<16384xi32, #tpu.memory_space<vmem>>) target(%arg5 : memref<16384xi32, #tpu.memory_space<hbm>>) target_semaphore(%run_scoped3A : memref<!tpu.dma_semaphore, #tpu.memory_space<semaphore_mem>>)
        tpu.wait_dma2 semaphore(%run_scoped3A : memref<!tpu.dma_semaphore, #tpu.memory_space<semaphore_mem>>) src(%arg6 : memref<16384xi32, #tpu.memory_space<vmem>>) dst(%arg5 : memref<16384xi32, #tpu.memory_space<hbm>>)
        tpu.yield
      }) : () -> ()
    } else {
    }
    %parallel_loop3A_5 = arith.constant 0 : i32
    %parallel_loop3A_6 = arith.constant 16384 : i32
    %parallel_loop3A_7 = arith.constant 32 : i32
    scf.for %parallel_loop3A_96 = %parallel_loop3A_5 to %parallel_loop3A_6 step %parallel_loop3A_7  : i32 {
      %parallel_loop3A_97 = arith.index_cast %parallel_loop3A_96 : i32 to index
      %parallel_loop3A_98 = tpu.vector_load %arg6[%parallel_loop3A_97] {strides = array<i32>} : memref<16384xi32, #tpu.memory_space<vmem>>, vector<16xi32>,
      %parallel_loop3A_99 = arith.constant 16 : i32
      %parallel_loop3A_100 = arith.addi %parallel_loop3A_96, %parallel_loop3A_99 : i32
      %parallel_loop3A_101 = arith.index_cast %parallel_loop3A_100 : i32 to index
      %parallel_loop3A_102 = tpu.vector_load %arg6[%parallel_loop3A_101] {strides = array<i32>} : memref<16384xi32, #tpu.memory_space<vmem>>, vector<16xi32>,
      %parallel_loop3A_103 = arith.constant 16 : i32
      %parallel_loop3A_104 = vector.broadcast %parallel_loop3A_103 : i32 to vector<16xi32>
      %parallel_loop3A_105 = arith.shli %parallel_loop3A_102, %parallel_loop3A_104 : vector<16xi32>
      %parallel_loop3A_106 = arith.ori %parallel_loop3A_98, %parallel_loop3A_105 : vector<16xi32>
      %parallel_loop3A_107 = arith.constant 2 : i32
      %parallel_loop3A_108 = arith.divsi %parallel_loop3A_96, %parallel_loop3A_107 : i32
      %parallel_loop3A_109 = arith.constant 0 : i32
      %parallel_loop3A_110 = arith.cmpi sgt, %parallel_loop3A_96, %parallel_loop3A_109 : i32
      %parallel_loop3A_111 = arith.extui %parallel_loop3A_110 : i1 to i32
      %parallel_loop3A_112 = arith.constant 0 : i32
      %parallel_loop3A_113 = arith.cmpi slt, %parallel_loop3A_96, %parallel_loop3A_112 : i32
      %parallel_loop3A_114 = arith.extui %parallel_loop3A_113 : i1 to i32
      %parallel_loop3A_115 = arith.subi %parallel_loop3A_111, %parallel_loop3A_114 : i32
      %parallel_loop3A_116 = arith.constant 0 : i32
      %parallel_loop3A_117 = arith.cmpi sgt, %parallel_loop3A_107, %parallel_loop3A_116 : i32
      %parallel_loop3A_118 = arith.extui %parallel_loop3A_117 : i1 to i32
      %parallel_loop3A_119 = arith.constant 0 : i32
      %parallel_loop3A_120 = arith.cmpi slt, %parallel_loop3A_107, %parallel_loop3A_119 : i32
      %parallel_loop3A_121 = arith.extui %parallel_loop3A_120 : i1 to i32
      %parallel_loop3A_122 = arith.subi %parallel_loop3A_118, %parallel_loop3A_121 : i32
      %parallel_loop3A_123 = arith.cmpi ne, %parallel_loop3A_115, %parallel_loop3A_122 : i32
      %parallel_loop3A_124 = arith.remsi %parallel_loop3A_96, %parallel_loop3A_107 : i32
      %parallel_loop3A_125 = arith.constant 0 : i32
      %parallel_loop3A_126 = arith.cmpi ne, %parallel_loop3A_124, %parallel_loop3A_125 : i32
      %parallel_loop3A_127 = arith.andi %parallel_loop3A_123, %parallel_loop3A_126 : i1
      %parallel_loop3A_128 = arith.constant 1 : i32
      %parallel_loop3A_129 = arith.subi %parallel_loop3A_108, %parallel_loop3A_128 : i32
      %parallel_loop3A_130 = arith.select %parallel_loop3A_127, %parallel_loop3A_129, %parallel_loop3A_108 : i32
      %parallel_loop3A_131 = arith.index_cast %parallel_loop3A_130 : i32 to index
      %parallel_loop3A_132 = tpu.vector_load %arg7[%parallel_loop3A_131] {strides = array<i32>} : memref<8192xi32, #tpu.memory_space<vmem>>, vector<16xi32>,
      tpu.vector_store %arg7[%parallel_loop3A_131], %parallel_loop3A_106 {strides = array<i32>} : memref<8192xi32, #tpu.memory_space<vmem>>, vector<16xi32>,
    } {sc.loop_unroll_factor = 1 : i64, sc.parallel_access}
    %mul3A_8 = arith.constant 256 : i32
    %mul3A_9 = arith.muli %add3A, %mul3A_8 : i32
    %add3A_10 = arith.constant 0 : i32
    %add3A_11 = arith.addi %mul3A_9, %add3A_10 : i32
    %dma_start3A = arith.constant 0 : i32
    %dma_start3A_12 = tpu.memref_slice %arg2[%add3A_11, %dma_start3A] : memref<8192x16384xf32, #tpu.memory_space<hbm>> -> memref<1x16384xf32, #tpu.memory_space<hbm>>
    %dma_start3A_13 = tpu.memref_squeeze %dma_start3A_12 : memref<1x16384xf32, #tpu.memory_space<hbm>> -> memref<16384xf32, #tpu.memory_space<hbm>>
    %dma_start3A_14 = arith.constant 0 : i32
    %dma_start3A_15 = tpu.memref_slice %arg2[%add3A_11, %dma_start3A_14] : memref<8192x16384xf32, #tpu.memory_space<hbm>> -> memref<1x16384xf32, #tpu.memory_space<hbm>>
    %dma_start3A_16 = tpu.memref_squeeze %dma_start3A_15 : memref<1x16384xf32, #tpu.memory_space<hbm>> -> memref<16384xf32, #tpu.memory_space<hbm>>
    tpu.enqueue_dma source(%dma_start3A_16 : memref<16384xf32, #tpu.memory_space<hbm>>) target(%arg8 : memref<16384xf32, #tpu.memory_space<vmem>>) target_semaphore(%arg14 : memref<!tpu.dma_semaphore, #tpu.memory_space<semaphore_mem>>)
    %add3A_17 = arith.constant 1 : i32
    %add3A_18 = arith.addi %mul3A_9, %add3A_17 : i32
    %dma_start3A_19 = arith.constant 0 : i32
    %dma_start3A_20 = tpu.memref_slice %arg2[%add3A_18, %dma_start3A_19] : memref<8192x16384xf32, #tpu.memory_space<hbm>> -> memref<1x16384xf32, #tpu.memory_space<hbm>>
    %dma_start3A_21 = tpu.memref_squeeze %dma_start3A_20 : memref<1x16384xf32, #tpu.memory_space<hbm>> -> memref<16384xf32, #tpu.memory_space<hbm>>
    %dma_start3A_22 = arith.constant 0 : i32
    %dma_start3A_23 = tpu.memref_slice %arg2[%add3A_18, %dma_start3A_22] : memref<8192x16384xf32, #tpu.memory_space<hbm>> -> memref<1x16384xf32, #tpu.memory_space<hbm>>
    %dma_start3A_24 = tpu.memref_squeeze %dma_start3A_23 : memref<1x16384xf32, #tpu.memory_space<hbm>> -> memref<16384xf32, #tpu.memory_space<hbm>>
    tpu.enqueue_dma source(%dma_start3A_24 : memref<16384xf32, #tpu.memory_space<hbm>>) target(%arg9 : memref<16384xf32, #tpu.memory_space<vmem>>) target_semaphore(%arg15 : memref<!tpu.dma_semaphore, #tpu.memory_space<semaphore_mem>>)
    %add3A_25 = arith.constant 2 : i32
    %add3A_26 = arith.addi %mul3A_9, %add3A_25 : i32
    %dma_start3A_27 = arith.constant 0 : i32
    %dma_start3A_28 = tpu.memref_slice %arg2[%add3A_26, %dma_start3A_27] : memref<8192x16384xf32, #tpu.memory_space<hbm>> -> memref<1x16384xf32, #tpu.memory_space<hbm>>
    %dma_start3A_29 = tpu.memref_squeeze %dma_start3A_28 : memref<1x16384xf32, #tpu.memory_space<hbm>> -> memref<16384xf32, #tpu.memory_space<hbm>>
    %dma_start3A_30 = arith.constant 0 : i32
    %dma_start3A_31 = tpu.memref_slice %arg2[%add3A_26, %dma_start3A_30] : memref<8192x16384xf32, #tpu.memory_space<hbm>> -> memref<1x16384xf32, #tpu.memory_space<hbm>>
    %dma_start3A_32 = tpu.memref_squeeze %dma_start3A_31 : memref<1x16384xf32, #tpu.memory_space<hbm>> -> memref<16384xf32, #tpu.memory_space<hbm>>
    tpu.enqueue_dma source(%dma_start3A_32 : memref<16384xf32, #tpu.memory_space<hbm>>) target(%arg10 : memref<16384xf32, #tpu.memory_space<vmem>>) target_semaphore(%arg16 : memref<!tpu.dma_semaphore, #tpu.memory_space<semaphore_mem>>)
    %scan3A = arith.constant 0 : i32
    %scan3A_33 = arith.constant 0 : i32
    %scan3A_34 = arith.constant 85 : i32
    %scan3A_35 = arith.addi %scan3A_33, %scan3A_34 : i32
    %scan3A_36 = arith.constant 1 : i32
    %scan3A_37 = scf.for %scan3A_96 = %scan3A_33 to %scan3A_35 step %scan3A_36 iter_args(%scan3A_97 = %scan3A) -> (i32)  : i32 {
      %mul3A_98 = arith.constant 3 : i32
      %mul3A_99 = arith.muli %scan3A_96, %mul3A_98 : i32
      %add3A_100 = arith.constant 0 : i32
      %add3A_101 = arith.addi %mul3A_99, %add3A_100 : i32
      %add3A_102 = arith.addi %mul3A_9, %add3A_101 : i32
      %dma_wait3A_103 = arith.constant 0 : i32
      %dma_wait3A_104 = tpu.memref_slice %arg2[%add3A_102, %dma_wait3A_103] : memref<8192x16384xf32, #tpu.memory_space<hbm>> -> memref<1x16384xf32, #tpu.memory_space<hbm>>
      %dma_wait3A_105 = tpu.memref_squeeze %dma_wait3A_104 : memref<1x16384xf32, #tpu.memory_space<hbm>> -> memref<16384xf32, #tpu.memory_space<hbm>>
      %dma_wait3A_106 = arith.constant 0 : i32
      %dma_wait3A_107 = tpu.memref_slice %arg2[%add3A_102, %dma_wait3A_106] : memref<8192x16384xf32, #tpu.memory_space<hbm>> -> memref<1x16384xf32, #tpu.memory_space<hbm>>
      %dma_wait3A_108 = tpu.memref_squeeze %dma_wait3A_107 : memref<1x16384xf32, #tpu.memory_space<hbm>> -> memref<16384xf32, #tpu.memory_space<hbm>>
      tpu.wait_dma2 semaphore(%arg14 : memref<!tpu.dma_semaphore, #tpu.memory_space<semaphore_mem>>) src(%dma_wait3A_108 : memref<16384xf32, #tpu.memory_space<hbm>>) dst(%arg8 : memref<16384xf32, #tpu.memory_space<vmem>>)
      %ge3A = arith.constant 3 : i32
      %ge3A_109 = arith.cmpi sge, %add3A_101, %ge3A : i32
      %convert_element_type3A_110 = arith.extui %ge3A_109 : i1 to i32
      %cond3A_111 = arith.constant 0 : i32
      %cond3A_112 = arith.cmpi ne, %convert_element_type3A_110, %cond3A_111 : i32
      scf.if %cond3A_112 {
        %dma_wait3A_193 = arith.constant 0 : i32
        %dma_wait3A_194 = tpu.memref_slice %arg4[%add3A_102, %dma_wait3A_193] : memref<8192x16384xf32, #tpu.memory_space<hbm>> -> memref<1x16384xf32, #tpu.memory_space<hbm>>
        %dma_wait3A_195 = tpu.memref_squeeze %dma_wait3A_194 : memref<1x16384xf32, #tpu.memory_space<hbm>> -> memref<16384xf32, #tpu.memory_space<hbm>>
        %dma_wait3A_196 = arith.constant 0 : i32
        %dma_wait3A_197 = tpu.memref_slice %arg4[%add3A_102, %dma_wait3A_196] : memref<8192x16384xf32, #tpu.memory_space<hbm>> -> memref<1x16384xf32, #tpu.memory_space<hbm>>
        %dma_wait3A_198 = tpu.memref_squeeze %dma_wait3A_197 : memref<1x16384xf32, #tpu.memory_space<hbm>> -> memref<16384xf32, #tpu.memory_space<hbm>>
        tpu.wait_dma2 semaphore(%arg17 : memref<!tpu.dma_semaphore, #tpu.memory_space<semaphore_mem>>) src(%arg11 : memref<16384xf32, #tpu.memory_space<vmem>>) dst(%dma_wait3A_198 : memref<16384xf32, #tpu.memory_space<hbm>>)
      } else {
      }
      %parallel_loop3A_113 = arith.constant 0 : i32
      %parallel_loop3A_114 = arith.constant 16384 : i32
      %parallel_loop3A_115 = arith.constant 32 : i32
      scf.for %parallel_loop3A_193 = %parallel_loop3A_113 to %parallel_loop3A_114 step %parallel_loop3A_115  : i32 {
        %parallel_loop3A_194 = arith.constant 2 : i32
        %parallel_loop3A_195 = arith.divsi %parallel_loop3A_193, %parallel_loop3A_194 : i32
        %parallel_loop3A_196 = arith.constant 0 : i32
        %parallel_loop3A_197 = arith.cmpi sgt, %parallel_loop3A_193, %parallel_loop3A_196 : i32
        %parallel_loop3A_198 = arith.extui %parallel_loop3A_197 : i1 to i32
        %parallel_loop3A_199 = arith.constant 0 : i32
        %parallel_loop3A_200 = arith.cmpi slt, %parallel_loop3A_193, %parallel_loop3A_199 : i32
        %parallel_loop3A_201 = arith.extui %parallel_loop3A_200 : i1 to i32
        %parallel_loop3A_202 = arith.subi %parallel_loop3A_198, %parallel_loop3A_201 : i32
        %parallel_loop3A_203 = arith.constant 0 : i32
        %parallel_loop3A_204 = arith.cmpi sgt, %parallel_loop3A_194, %parallel_loop3A_203 : i32
        %parallel_loop3A_205 = arith.extui %parallel_loop3A_204 : i1 to i32
        %parallel_loop3A_206 = arith.constant 0 : i32
        %parallel_loop3A_207 = arith.cmpi slt, %parallel_loop3A_194, %parallel_loop3A_206 : i32
        %parallel_loop3A_208 = arith.extui %parallel_loop3A_207 : i1 to i32
        %parallel_loop3A_209 = arith.subi %parallel_loop3A_205, %parallel_loop3A_208 : i32
        %parallel_loop3A_210 = arith.cmpi ne, %parallel_loop3A_202, %parallel_loop3A_209 : i32
        %parallel_loop3A_211 = arith.remsi %parallel_loop3A_193, %parallel_loop3A_194 : i32
        %parallel_loop3A_212 = arith.constant 0 : i32
        %parallel_loop3A_213 = arith.cmpi ne, %parallel_loop3A_211, %parallel_loop3A_212 : i32
        %parallel_loop3A_214 = arith.andi %parallel_loop3A_210, %parallel_loop3A_213 : i1
        %parallel_loop3A_215 = arith.constant 1 : i32
        %parallel_loop3A_216 = arith.subi %parallel_loop3A_195, %parallel_loop3A_215 : i32
        %parallel_loop3A_217 = arith.select %parallel_loop3A_214, %parallel_loop3A_216, %parallel_loop3A_195 : i32
        %parallel_loop3A_218 = arith.index_cast %parallel_loop3A_217 : i32 to index
        %parallel_loop3A_219 = tpu.vector_load %arg7[%parallel_loop3A_218] {strides = array<i32>} : memref<8192xi32, #tpu.memory_space<vmem>>, vector<16xi32>,
        %parallel_loop3A_220 = arith.constant 65535 : i32
        %parallel_loop3A_221 = vector.broadcast %parallel_loop3A_220 : i32 to vector<16xi32>
        %parallel_loop3A_222 = arith.andi %parallel_loop3A_219, %parallel_loop3A_221 : vector<16xi32>
        %parallel_loop3A_223 = arith.constant 16 : i32
        %parallel_loop3A_224 = vector.broadcast %parallel_loop3A_223 : i32 to vector<16xi32>
        %parallel_loop3A_225 = arith.shrui %parallel_loop3A_219, %parallel_loop3A_224 : vector<16xi32>
        %parallel_loop3A_226 = tpu.vector_load_idx %arg8[%parallel_loop3A_222] : memref<16384xf32, #tpu.memory_space<vmem>>[vector<16xi32>], vector<16xf32>,
        %parallel_loop3A_227 = arith.index_cast %parallel_loop3A_193 : i32 to index
        %parallel_loop3A_228 = tpu.vector_load %arg11[%parallel_loop3A_227] {strides = array<i32>} : memref<16384xf32, #tpu.memory_space<vmem>>, vector<16xf32>,
        tpu.vector_store %arg11[%parallel_loop3A_227], %parallel_loop3A_226 {strides = array<i32>} : memref<16384xf32, #tpu.memory_space<vmem>>, vector<16xf32>,
        %parallel_loop3A_229 = tpu.vector_load_idx %arg8[%parallel_loop3A_225] : memref<16384xf32, #tpu.memory_space<vmem>>[vector<16xi32>], vector<16xf32>,
        %parallel_loop3A_230 = arith.constant 16 : i32
        %parallel_loop3A_231 = arith.addi %parallel_loop3A_193, %parallel_loop3A_230 : i32
        %parallel_loop3A_232 = arith.index_cast %parallel_loop3A_231 : i32 to index
        %parallel_loop3A_233 = tpu.vector_load %arg11[%parallel_loop3A_232] {strides = array<i32>} : memref<16384xf32, #tpu.memory_space<vmem>>, vector<16xf32>,
        tpu.vector_store %arg11[%parallel_loop3A_232], %parallel_loop3A_229 {strides = array<i32>} : memref<16384xf32, #tpu.memory_space<vmem>>, vector<16xf32>,
      } {sc.loop_unroll_factor = 8 : i64, sc.parallel_access}
      %dma_start3A_116 = arith.constant 0 : i32
      %dma_start3A_117 = tpu.memref_slice %arg4[%add3A_102, %dma_start3A_116] : memref<8192x16384xf32, #tpu.memory_space<hbm>> -> memref<1x16384xf32, #tpu.memory_space<hbm>>
      %dma_start3A_118 = tpu.memref_squeeze %dma_start3A_117 : memref<1x16384xf32, #tpu.memory_space<hbm>> -> memref<16384xf32, #tpu.memory_space<hbm>>
      %dma_start3A_119 = arith.constant 0 : i32
      %dma_start3A_120 = tpu.memref_slice %arg4[%add3A_102, %dma_start3A_119] : memref<8192x16384xf32, #tpu.memory_space<hbm>> -> memref<1x16384xf32, #tpu.memory_space<hbm>>
      %dma_start3A_121 = tpu.memref_squeeze %dma_start3A_120 : memref<1x16384xf32, #tpu.memory_space<hbm>> -> memref<16384xf32, #tpu.memory_space<hbm>>
      tpu.enqueue_dma source(%arg11 : memref<16384xf32, #tpu.memory_space<vmem>>) target(%dma_start3A_121 : memref<16384xf32, #tpu.memory_space<hbm>>) target_semaphore(%arg17 : memref<!tpu.dma_semaphore, #tpu.memory_space<semaphore_mem>>)
      %add3A_122 = arith.constant 3 : i32
      %add3A_123 = arith.addi %add3A_101, %add3A_122 : i32
      %lt3A = arith.constant 256 : i32
      %lt3A_124 = arith.cmpi slt, %add3A_123, %lt3A : i32
      %convert_element_type3A_125 = arith.extui %lt3A_124 : i1 to i32
      %cond3A_126 = arith.constant 0 : i32
      %cond3A_127 = arith.cmpi ne, %convert_element_type3A_125, %cond3A_126 : i32
      scf.if %cond3A_127 {
        %add3A_193 = arith.constant 3 : i32
        %add3A_194 = arith.addi %add3A_102, %add3A_193 : i32
        %dma_start3A_195 = arith.constant 0 : i32
        %dma_start3A_196 = tpu.memref_slice %arg2[%add3A_194, %dma_start3A_195] : memref<8192x16384xf32, #tpu.memory_space<hbm>> -> memref<1x16384xf32, #tpu.memory_space<hbm>>
        %dma_start3A_197 = tpu.memref_squeeze %dma_start3A_196 : memref<1x16384xf32, #tpu.memory_space<hbm>> -> memref<16384xf32, #tpu.memory_space<hbm>>
        %dma_start3A_198 = arith.constant 0 : i32
        %dma_start3A_199 = tpu.memref_slice %arg2[%add3A_194, %dma_start3A_198] : memref<8192x16384xf32, #tpu.memory_space<hbm>> -> memref<1x16384xf32, #tpu.memory_space<hbm>>
        %dma_start3A_200 = tpu.memref_squeeze %dma_start3A_199 : memref<1x16384xf32, #tpu.memory_space<hbm>> -> memref<16384xf32, #tpu.memory_space<hbm>>
        tpu.enqueue_dma source(%dma_start3A_200 : memref<16384xf32, #tpu.memory_space<hbm>>) target(%arg8 : memref<16384xf32, #tpu.memory_space<vmem>>) target_semaphore(%arg14 : memref<!tpu.dma_semaphore, #tpu.memory_space<semaphore_mem>>)
      } else {
      }
      %mul3A_128 = arith.constant 3 : i32
      %mul3A_129 = arith.muli %scan3A_96, %mul3A_128 : i32
      %add3A_130 = arith.constant 1 : i32
      %add3A_131 = arith.addi %mul3A_129, %add3A_130 : i32
      %add3A_132 = arith.addi %mul3A_9, %add3A_131 : i32
      %dma_wait3A_133 = arith.constant 0 : i32
      %dma_wait3A_134 = tpu.memref_slice %arg2[%add3A_132, %dma_wait3A_133] : memref<8192x16384xf32, #tpu.memory_space<hbm>> -> memref<1x16384xf32, #tpu.memory_space<hbm>>
      %dma_wait3A_135 = tpu.memref_squeeze %dma_wait3A_134 : memref<1x16384xf32, #tpu.memory_space<hbm>> -> memref<16384xf32, #tpu.memory_space<hbm>>
      %dma_wait3A_136 = arith.constant 0 : i32
      %dma_wait3A_137 = tpu.memref_slice %arg2[%add3A_132, %dma_wait3A_136] : memref<8192x16384xf32, #tpu.memory_space<hbm>> -> memref<1x16384xf32, #tpu.memory_space<hbm>>
      %dma_wait3A_138 = tpu.memref_squeeze %dma_wait3A_137 : memref<1x16384xf32, #tpu.memory_space<hbm>> -> memref<16384xf32, #tpu.memory_space<hbm>>
      tpu.wait_dma2 semaphore(%arg15 : memref<!tpu.dma_semaphore, #tpu.memory_space<semaphore_mem>>) src(%dma_wait3A_138 : memref<16384xf32, #tpu.memory_space<hbm>>) dst(%arg9 : memref<16384xf32, #tpu.memory_space<vmem>>)
      %ge3A_139 = arith.constant 3 : i32
      %ge3A_140 = arith.cmpi sge, %add3A_131, %ge3A_139 : i32
      %convert_element_type3A_141 = arith.extui %ge3A_140 : i1 to i32
      %cond3A_142 = arith.constant 0 : i32
      %cond3A_143 = arith.cmpi ne, %convert_element_type3A_141, %cond3A_142 : i32
      scf.if %cond3A_143 {
        %dma_wait3A_193 = arith.constant 0 : i32
        %dma_wait3A_194 = tpu.memref_slice %arg4[%add3A_132, %dma_wait3A_193] : memref<8192x16384xf32, #tpu.memory_space<hbm>> -> memref<1x16384xf32, #tpu.memory_space<hbm>>
        %dma_wait3A_195 = tpu.memref_squeeze %dma_wait3A_194 : memref<1x16384xf32, #tpu.memory_space<hbm>> -> memref<16384xf32, #tpu.memory_space<hbm>>
        %dma_wait3A_196 = arith.constant 0 : i32
        %dma_wait3A_197 = tpu.memref_slice %arg4[%add3A_132, %dma_wait3A_196] : memref<8192x16384xf32, #tpu.memory_space<hbm>> -> memref<1x16384xf32, #tpu.memory_space<hbm>>
        %dma_wait3A_198 = tpu.memref_squeeze %dma_wait3A_197 : memref<1x16384xf32, #tpu.memory_space<hbm>> -> memref<16384xf32, #tpu.memory_space<hbm>>
        tpu.wait_dma2 semaphore(%arg18 : memref<!tpu.dma_semaphore, #tpu.memory_space<semaphore_mem>>) src(%arg12 : memref<16384xf32, #tpu.memory_space<vmem>>) dst(%dma_wait3A_198 : memref<16384xf32, #tpu.memory_space<hbm>>)
      } else {
      }
      %parallel_loop3A_144 = arith.constant 0 : i32
      %parallel_loop3A_145 = arith.constant 16384 : i32
      %parallel_loop3A_146 = arith.constant 32 : i32
      scf.for %parallel_loop3A_193 = %parallel_loop3A_144 to %parallel_loop3A_145 step %parallel_loop3A_146  : i32 {
        %parallel_loop3A_194 = arith.constant 2 : i32
        %parallel_loop3A_195 = arith.divsi %parallel_loop3A_193, %parallel_loop3A_194 : i32
        %parallel_loop3A_196 = arith.constant 0 : i32
        %parallel_loop3A_197 = arith.cmpi sgt, %parallel_loop3A_193, %parallel_loop3A_196 : i32
        %parallel_loop3A_198 = arith.extui %parallel_loop3A_197 : i1 to i32
        %parallel_loop3A_199 = arith.constant 0 : i32
        %parallel_loop3A_200 = arith.cmpi slt, %parallel_loop3A_193, %parallel_loop3A_199 : i32
        %parallel_loop3A_201 = arith.extui %parallel_loop3A_200 : i1 to i32
        %parallel_loop3A_202 = arith.subi %parallel_loop3A_198, %parallel_loop3A_201 : i32
        %parallel_loop3A_203 = arith.constant 0 : i32
        %parallel_loop3A_204 = arith.cmpi sgt, %parallel_loop3A_194, %parallel_loop3A_203 : i32
        %parallel_loop3A_205 = arith.extui %parallel_loop3A_204 : i1 to i32
        %parallel_loop3A_206 = arith.constant 0 : i32
        %parallel_loop3A_207 = arith.cmpi slt, %parallel_loop3A_194, %parallel_loop3A_206 : i32
        %parallel_loop3A_208 = arith.extui %parallel_loop3A_207 : i1 to i32
        %parallel_loop3A_209 = arith.subi %parallel_loop3A_205, %parallel_loop3A_208 : i32
        %parallel_loop3A_210 = arith.cmpi ne, %parallel_loop3A_202, %parallel_loop3A_209 : i32
        %parallel_loop3A_211 = arith.remsi %parallel_loop3A_193, %parallel_loop3A_194 : i32
        %parallel_loop3A_212 = arith.constant 0 : i32
        %parallel_loop3A_213 = arith.cmpi ne, %parallel_loop3A_211, %parallel_loop3A_212 : i32
        %parallel_loop3A_214 = arith.andi %parallel_loop3A_210, %parallel_loop3A_213 : i1
        %parallel_loop3A_215 = arith.constant 1 : i32
        %parallel_loop3A_216 = arith.subi %parallel_loop3A_195, %parallel_loop3A_215 : i32
        %parallel_loop3A_217 = arith.select %parallel_loop3A_214, %parallel_loop3A_216, %parallel_loop3A_195 : i32
        %parallel_loop3A_218 = arith.index_cast %parallel_loop3A_217 : i32 to index
        %parallel_loop3A_219 = tpu.vector_load %arg7[%parallel_loop3A_218] {strides = array<i32>} : memref<8192xi32, #tpu.memory_space<vmem>>, vector<16xi32>,
        %parallel_loop3A_220 = arith.constant 65535 : i32
        %parallel_loop3A_221 = vector.broadcast %parallel_loop3A_220 : i32 to vector<16xi32>
        %parallel_loop3A_222 = arith.andi %parallel_loop3A_219, %parallel_loop3A_221 : vector<16xi32>
        %parallel_loop3A_223 = arith.constant 16 : i32
        %parallel_loop3A_224 = vector.broadcast %parallel_loop3A_223 : i32 to vector<16xi32>
        %parallel_loop3A_225 = arith.shrui %parallel_loop3A_219, %parallel_loop3A_224 : vector<16xi32>
        %parallel_loop3A_226 = tpu.vector_load_idx %arg9[%parallel_loop3A_222] : memref<16384xf32, #tpu.memory_space<vmem>>[vector<16xi32>], vector<16xf32>,
        %parallel_loop3A_227 = arith.index_cast %parallel_loop3A_193 : i32 to index
        %parallel_loop3A_228 = tpu.vector_load %arg12[%parallel_loop3A_227] {strides = array<i32>} : memref<16384xf32, #tpu.memory_space<vmem>>, vector<16xf32>,
        tpu.vector_store %arg12[%parallel_loop3A_227], %parallel_loop3A_226 {strides = array<i32>} : memref<16384xf32, #tpu.memory_space<vmem>>, vector<16xf32>,
        %parallel_loop3A_229 = tpu.vector_load_idx %arg9[%parallel_loop3A_225] : memref<16384xf32, #tpu.memory_space<vmem>>[vector<16xi32>], vector<16xf32>,
        %parallel_loop3A_230 = arith.constant 16 : i32
        %parallel_loop3A_231 = arith.addi %parallel_loop3A_193, %parallel_loop3A_230 : i32
        %parallel_loop3A_232 = arith.index_cast %parallel_loop3A_231 : i32 to index
        %parallel_loop3A_233 = tpu.vector_load %arg12[%parallel_loop3A_232] {strides = array<i32>} : memref<16384xf32, #tpu.memory_space<vmem>>, vector<16xf32>,
        tpu.vector_store %arg12[%parallel_loop3A_232], %parallel_loop3A_229 {strides = array<i32>} : memref<16384xf32, #tpu.memory_space<vmem>>, vector<16xf32>,
      } {sc.loop_unroll_factor = 8 : i64, sc.parallel_access}
      %dma_start3A_147 = arith.constant 0 : i32
      %dma_start3A_148 = tpu.memref_slice %arg4[%add3A_132, %dma_start3A_147] : memref<8192x16384xf32, #tpu.memory_space<hbm>> -> memref<1x16384xf32, #tpu.memory_space<hbm>>
      %dma_start3A_149 = tpu.memref_squeeze %dma_start3A_148 : memref<1x16384xf32, #tpu.memory_space<hbm>> -> memref<16384xf32, #tpu.memory_space<hbm>>
      %dma_start3A_150 = arith.constant 0 : i32
      %dma_start3A_151 = tpu.memref_slice %arg4[%add3A_132, %dma_start3A_150] : memref<8192x16384xf32, #tpu.memory_space<hbm>> -> memref<1x16384xf32, #tpu.memory_space<hbm>>
      %dma_start3A_152 = tpu.memref_squeeze %dma_start3A_151 : memref<1x16384xf32, #tpu.memory_space<hbm>> -> memref<16384xf32, #tpu.memory_space<hbm>>
      tpu.enqueue_dma source(%arg12 : memref<16384xf32, #tpu.memory_space<vmem>>) target(%dma_start3A_152 : memref<16384xf32, #tpu.memory_space<hbm>>) target_semaphore(%arg18 : memref<!tpu.dma_semaphore, #tpu.memory_space<semaphore_mem>>)
      %add3A_153 = arith.constant 3 : i32
      %add3A_154 = arith.addi %add3A_131, %add3A_153 : i32
      %lt3A_155 = arith.constant 256 : i32
      %lt3A_156 = arith.cmpi slt, %add3A_154, %lt3A_155 : i32
      %convert_element_type3A_157 = arith.extui %lt3A_156 : i1 to i32
      %cond3A_158 = arith.constant 0 : i32
      %cond3A_159 = arith.cmpi ne, %convert_element_type3A_157, %cond3A_158 : i32
      scf.if %cond3A_159 {
        %add3A_193 = arith.constant 3 : i32
        %add3A_194 = arith.addi %add3A_132, %add3A_193 : i32
        %dma_start3A_195 = arith.constant 0 : i32
        %dma_start3A_196 = tpu.memref_slice %arg2[%add3A_194, %dma_start3A_195] : memref<8192x16384xf32, #tpu.memory_space<hbm>> -> memref<1x16384xf32, #tpu.memory_space<hbm>>
        %dma_start3A_197 = tpu.memref_squeeze %dma_start3A_196 : memref<1x16384xf32, #tpu.memory_space<hbm>> -> memref<16384xf32, #tpu.memory_space<hbm>>
        %dma_start3A_198 = arith.constant 0 : i32
        %dma_start3A_199 = tpu.memref_slice %arg2[%add3A_194, %dma_start3A_198] : memref<8192x16384xf32, #tpu.memory_space<hbm>> -> memref<1x16384xf32, #tpu.memory_space<hbm>>
        %dma_start3A_200 = tpu.memref_squeeze %dma_start3A_199 : memref<1x16384xf32, #tpu.memory_space<hbm>> -> memref<16384xf32, #tpu.memory_space<hbm>>
        tpu.enqueue_dma source(%dma_start3A_200 : memref<16384xf32, #tpu.memory_space<hbm>>) target(%arg9 : memref<16384xf32, #tpu.memory_space<vmem>>) target_semaphore(%arg15 : memref<!tpu.dma_semaphore, #tpu.memory_space<semaphore_mem>>)
      } else {
      }
      %mul3A_160 = arith.constant 3 : i32
      %mul3A_161 = arith.muli %scan3A_96, %mul3A_160 : i32
      %add3A_162 = arith.constant 2 : i32
      %add3A_163 = arith.addi %mul3A_161, %add3A_162 : i32
      %add3A_164 = arith.addi %mul3A_9, %add3A_163 : i32
      %dma_wait3A_165 = arith.constant 0 : i32
      %dma_wait3A_166 = tpu.memref_slice %arg2[%add3A_164, %dma_wait3A_165] : memref<8192x16384xf32, #tpu.memory_space<hbm>> -> memref<1x16384xf32, #tpu.memory_space<hbm>>
      %dma_wait3A_167 = tpu.memref_squeeze %dma_wait3A_166 : memref<1x16384xf32, #tpu.memory_space<hbm>> -> memref<16384xf32, #tpu.memory_space<hbm>>
      %dma_wait3A_168 = arith.constant 0 : i32
      %dma_wait3A_169 = tpu.memref_slice %arg2[%add3A_164, %dma_wait3A_168] : memref<8192x16384xf32, #tpu.memory_space<hbm>> -> memref<1x16384xf32, #tpu.memory_space<hbm>>
      %dma_wait3A_170 = tpu.memref_squeeze %dma_wait3A_169 : memref<1x16384xf32, #tpu.memory_space<hbm>> -> memref<16384xf32, #tpu.memory_space<hbm>>
      tpu.wait_dma2 semaphore(%arg16 : memref<!tpu.dma_semaphore, #tpu.memory_space<semaphore_mem>>) src(%dma_wait3A_170 : memref<16384xf32, #tpu.memory_space<hbm>>) dst(%arg10 : memref<16384xf32, #tpu.memory_space<vmem>>)
      %ge3A_171 = arith.constant 3 : i32
      %ge3A_172 = arith.cmpi sge, %add3A_163, %ge3A_171 : i32
      %convert_element_type3A_173 = arith.extui %ge3A_172 : i1 to i32
      %cond3A_174 = arith.constant 0 : i32
      %cond3A_175 = arith.cmpi ne, %convert_element_type3A_173, %cond3A_174 : i32
      scf.if %cond3A_175 {
        %dma_wait3A_193 = arith.constant 0 : i32
        %dma_wait3A_194 = tpu.memref_slice %arg4[%add3A_164, %dma_wait3A_193] : memref<8192x16384xf32, #tpu.memory_space<hbm>> -> memref<1x16384xf32, #tpu.memory_space<hbm>>
        %dma_wait3A_195 = tpu.memref_squeeze %dma_wait3A_194 : memref<1x16384xf32, #tpu.memory_space<hbm>> -> memref<16384xf32, #tpu.memory_space<hbm>>
        %dma_wait3A_196 = arith.constant 0 : i32
        %dma_wait3A_197 = tpu.memref_slice %arg4[%add3A_164, %dma_wait3A_196] : memref<8192x16384xf32, #tpu.memory_space<hbm>> -> memref<1x16384xf32, #tpu.memory_space<hbm>>
        %dma_wait3A_198 = tpu.memref_squeeze %dma_wait3A_197 : memref<1x16384xf32, #tpu.memory_space<hbm>> -> memref<16384xf32, #tpu.memory_space<hbm>>
        tpu.wait_dma2 semaphore(%arg19 : memref<!tpu.dma_semaphore, #tpu.memory_space<semaphore_mem>>) src(%arg13 : memref<16384xf32, #tpu.memory_space<vmem>>) dst(%dma_wait3A_198 : memref<16384xf32, #tpu.memory_space<hbm>>)
      } else {
      }
      %parallel_loop3A_176 = arith.constant 0 : i32
      %parallel_loop3A_177 = arith.constant 16384 : i32
      %parallel_loop3A_178 = arith.constant 32 : i32
      scf.for %parallel_loop3A_193 = %parallel_loop3A_176 to %parallel_loop3A_177 step %parallel_loop3A_178  : i32 {
        %parallel_loop3A_194 = arith.constant 2 : i32
        %parallel_loop3A_195 = arith.divsi %parallel_loop3A_193, %parallel_loop3A_194 : i32
        %parallel_loop3A_196 = arith.constant 0 : i32
        %parallel_loop3A_197 = arith.cmpi sgt, %parallel_loop3A_193, %parallel_loop3A_196 : i32
        %parallel_loop3A_198 = arith.extui %parallel_loop3A_197 : i1 to i32
        %parallel_loop3A_199 = arith.constant 0 : i32
        %parallel_loop3A_200 = arith.cmpi slt, %parallel_loop3A_193, %parallel_loop3A_199 : i32
        %parallel_loop3A_201 = arith.extui %parallel_loop3A_200 : i1 to i32
        %parallel_loop3A_202 = arith.subi %parallel_loop3A_198, %parallel_loop3A_201 : i32
        %parallel_loop3A_203 = arith.constant 0 : i32
        %parallel_loop3A_204 = arith.cmpi sgt, %parallel_loop3A_194, %parallel_loop3A_203 : i32
        %parallel_loop3A_205 = arith.extui %parallel_loop3A_204 : i1 to i32
        %parallel_loop3A_206 = arith.constant 0 : i32
        %parallel_loop3A_207 = arith.cmpi slt, %parallel_loop3A_194, %parallel_loop3A_206 : i32
        %parallel_loop3A_208 = arith.extui %parallel_loop3A_207 : i1 to i32
        %parallel_loop3A_209 = arith.subi %parallel_loop3A_205, %parallel_loop3A_208 : i32
        %parallel_loop3A_210 = arith.cmpi ne, %parallel_loop3A_202, %parallel_loop3A_209 : i32
        %parallel_loop3A_211 = arith.remsi %parallel_loop3A_193, %parallel_loop3A_194 : i32
        %parallel_loop3A_212 = arith.constant 0 : i32
        %parallel_loop3A_213 = arith.cmpi ne, %parallel_loop3A_211, %parallel_loop3A_212 : i32
        %parallel_loop3A_214 = arith.andi %parallel_loop3A_210, %parallel_loop3A_213 : i1
        %parallel_loop3A_215 = arith.constant 1 : i32
        %parallel_loop3A_216 = arith.subi %parallel_loop3A_195, %parallel_loop3A_215 : i32
        %parallel_loop3A_217 = arith.select %parallel_loop3A_214, %parallel_loop3A_216, %parallel_loop3A_195 : i32
        %parallel_loop3A_218 = arith.index_cast %parallel_loop3A_217 : i32 to index
        %parallel_loop3A_219 = tpu.vector_load %arg7[%parallel_loop3A_218] {strides = array<i32>} : memref<8192xi32, #tpu.memory_space<vmem>>, vector<16xi32>,
        %parallel_loop3A_220 = arith.constant 65535 : i32
        %parallel_loop3A_221 = vector.broadcast %parallel_loop3A_220 : i32 to vector<16xi32>
        %parallel_loop3A_222 = arith.andi %parallel_loop3A_219, %parallel_loop3A_221 : vector<16xi32>
        %parallel_loop3A_223 = arith.constant 16 : i32
        %parallel_loop3A_224 = vector.broadcast %parallel_loop3A_223 : i32 to vector<16xi32>
        %parallel_loop3A_225 = arith.shrui %parallel_loop3A_219, %parallel_loop3A_224 : vector<16xi32>
        %parallel_loop3A_226 = tpu.vector_load_idx %arg10[%parallel_loop3A_222] : memref<16384xf32, #tpu.memory_space<vmem>>[vector<16xi32>], vector<16xf32>,
        %parallel_loop3A_227 = arith.index_cast %parallel_loop3A_193 : i32 to index
        %parallel_loop3A_228 = tpu.vector_load %arg13[%parallel_loop3A_227] {strides = array<i32>} : memref<16384xf32, #tpu.memory_space<vmem>>, vector<16xf32>,
        tpu.vector_store %arg13[%parallel_loop3A_227], %parallel_loop3A_226 {strides = array<i32>} : memref<16384xf32, #tpu.memory_space<vmem>>, vector<16xf32>,
        %parallel_loop3A_229 = tpu.vector_load_idx %arg10[%parallel_loop3A_225] : memref<16384xf32, #tpu.memory_space<vmem>>[vector<16xi32>], vector<16xf32>,
        %parallel_loop3A_230 = arith.constant 16 : i32
        %parallel_loop3A_231 = arith.addi %parallel_loop3A_193, %parallel_loop3A_230 : i32
        %parallel_loop3A_232 = arith.index_cast %parallel_loop3A_231 : i32 to index
        %parallel_loop3A_233 = tpu.vector_load %arg13[%parallel_loop3A_232] {strides = array<i32>} : memref<16384xf32, #tpu.memory_space<vmem>>, vector<16xf32>,
        tpu.vector_store %arg13[%parallel_loop3A_232], %parallel_loop3A_229 {strides = array<i32>} : memref<16384xf32, #tpu.memory_space<vmem>>, vector<16xf32>,
      } {sc.loop_unroll_factor = 8 : i64, sc.parallel_access}
      %dma_start3A_179 = arith.constant 0 : i32
      %dma_start3A_180 = tpu.memref_slice %arg4[%add3A_164, %dma_start3A_179] : memref<8192x16384xf32, #tpu.memory_space<hbm>> -> memref<1x16384xf32, #tpu.memory_space<hbm>>
      %dma_start3A_181 = tpu.memref_squeeze %dma_start3A_180 : memref<1x16384xf32, #tpu.memory_space<hbm>> -> memref<16384xf32, #tpu.memory_space<hbm>>
      %dma_start3A_182 = arith.constant 0 : i32
      %dma_start3A_183 = tpu.memref_slice %arg4[%add3A_164, %dma_start3A_182] : memref<8192x16384xf32, #tpu.memory_space<hbm>> -> memref<1x16384xf32, #tpu.memory_space<hbm>>
      %dma_start3A_184 = tpu.memref_squeeze %dma_start3A_183 : memref<1x16384xf32, #tpu.memory_space<hbm>> -> memref<16384xf32, #tpu.memory_space<hbm>>
      tpu.enqueue_dma source(%arg13 : memref<16384xf32, #tpu.memory_space<vmem>>) target(%dma_start3A_184 : memref<16384xf32, #tpu.memory_space<hbm>>) target_semaphore(%arg19 : memref<!tpu.dma_semaphore, #tpu.memory_space<semaphore_mem>>)
      %add3A_185 = arith.constant 3 : i32
      %add3A_186 = arith.addi %add3A_163, %add3A_185 : i32
      %lt3A_187 = arith.constant 256 : i32
      %lt3A_188 = arith.cmpi slt, %add3A_186, %lt3A_187 : i32
      %convert_element_type3A_189 = arith.extui %lt3A_188 : i1 to i32
      %cond3A_190 = arith.constant 0 : i32
      %cond3A_191 = arith.cmpi ne, %convert_element_type3A_189, %cond3A_190 : i32
      scf.if %cond3A_191 {
        %add3A_193 = arith.constant 3 : i32
        %add3A_194 = arith.addi %add3A_164, %add3A_193 : i32
        %dma_start3A_195 = arith.constant 0 : i32
        %dma_start3A_196 = tpu.memref_slice %arg2[%add3A_194, %dma_start3A_195] : memref<8192x16384xf32, #tpu.memory_space<hbm>> -> memref<1x16384xf32, #tpu.memory_space<hbm>>
        %dma_start3A_197 = tpu.memref_squeeze %dma_start3A_196 : memref<1x16384xf32, #tpu.memory_space<hbm>> -> memref<16384xf32, #tpu.memory_space<hbm>>
        %dma_start3A_198 = arith.constant 0 : i32
        %dma_start3A_199 = tpu.memref_slice %arg2[%add3A_194, %dma_start3A_198] : memref<8192x16384xf32, #tpu.memory_space<hbm>> -> memref<1x16384xf32, #tpu.memory_space<hbm>>
        %dma_start3A_200 = tpu.memref_squeeze %dma_start3A_199 : memref<1x16384xf32, #tpu.memory_space<hbm>> -> memref<16384xf32, #tpu.memory_space<hbm>>
        tpu.enqueue_dma source(%dma_start3A_200 : memref<16384xf32, #tpu.memory_space<hbm>>) target(%arg10 : memref<16384xf32, #tpu.memory_space<vmem>>) target_semaphore(%arg16 : memref<!tpu.dma_semaphore, #tpu.memory_space<semaphore_mem>>)
      } else {
      }
      %scan3A_192 = arith.constant 0 : i32
      scf.yield %scan3A_192 : i32
    }
    %scan3A_38 = arith.constant 85 : i32
    %add3A_39 = arith.constant 255 : i32
    %add3A_40 = arith.addi %mul3A_9, %add3A_39 : i32
    %dma_wait3A = arith.constant 0 : i32
    %dma_wait3A_41 = tpu.memref_slice %arg2[%add3A_40, %dma_wait3A] : memref<8192x16384xf32, #tpu.memory_space<hbm>> -> memref<1x16384xf32, #tpu.memory_space<hbm>>
    %dma_wait3A_42 = tpu.memref_squeeze %dma_wait3A_41 : memref<1x16384xf32, #tpu.memory_space<hbm>> -> memref<16384xf32, #tpu.memory_space<hbm>>
    %dma_wait3A_43 = arith.constant 0 : i32
    %dma_wait3A_44 = tpu.memref_slice %arg2[%add3A_40, %dma_wait3A_43] : memref<8192x16384xf32, #tpu.memory_space<hbm>> -> memref<1x16384xf32, #tpu.memory_space<hbm>>
    %dma_wait3A_45 = tpu.memref_squeeze %dma_wait3A_44 : memref<1x16384xf32, #tpu.memory_space<hbm>> -> memref<16384xf32, #tpu.memory_space<hbm>>
    tpu.wait_dma2 semaphore(%arg14 : memref<!tpu.dma_semaphore, #tpu.memory_space<semaphore_mem>>) src(%dma_wait3A_45 : memref<16384xf32, #tpu.memory_space<hbm>>) dst(%arg8 : memref<16384xf32, #tpu.memory_space<vmem>>)
    %dma_wait3A_46 = arith.constant 0 : i32
    %dma_wait3A_47 = tpu.memref_slice %arg4[%add3A_40, %dma_wait3A_46] : memref<8192x16384xf32, #tpu.memory_space<hbm>> -> memref<1x16384xf32, #tpu.memory_space<hbm>>
    %dma_wait3A_48 = tpu.memref_squeeze %dma_wait3A_47 : memref<1x16384xf32, #tpu.memory_space<hbm>> -> memref<16384xf32, #tpu.memory_space<hbm>>
    %dma_wait3A_49 = arith.constant 0 : i32
    %dma_wait3A_50 = tpu.memref_slice %arg4[%add3A_40, %dma_wait3A_49] : memref<8192x16384xf32, #tpu.memory_space<hbm>> -> memref<1x16384xf32, #tpu.memory_space<hbm>>
    %dma_wait3A_51 = tpu.memref_squeeze %dma_wait3A_50 : memref<1x16384xf32, #tpu.memory_space<hbm>> -> memref<16384xf32, #tpu.memory_space<hbm>>
    tpu.wait_dma2 semaphore(%arg17 : memref<!tpu.dma_semaphore, #tpu.memory_space<semaphore_mem>>) src(%arg11 : memref<16384xf32, #tpu.memory_space<vmem>>) dst(%dma_wait3A_51 : memref<16384xf32, #tpu.memory_space<hbm>>)
    %parallel_loop3A_52 = arith.constant 0 : i32
    %parallel_loop3A_53 = arith.constant 16384 : i32
    %parallel_loop3A_54 = arith.constant 32 : i32
    scf.for %parallel_loop3A_96 = %parallel_loop3A_52 to %parallel_loop3A_53 step %parallel_loop3A_54  : i32 {
      %parallel_loop3A_97 = arith.constant 2 : i32
      %parallel_loop3A_98 = arith.divsi %parallel_loop3A_96, %parallel_loop3A_97 : i32
      %parallel_loop3A_99 = arith.constant 0 : i32
      %parallel_loop3A_100 = arith.cmpi sgt, %parallel_loop3A_96, %parallel_loop3A_99 : i32
      %parallel_loop3A_101 = arith.extui %parallel_loop3A_100 : i1 to i32
      %parallel_loop3A_102 = arith.constant 0 : i32
      %parallel_loop3A_103 = arith.cmpi slt, %parallel_loop3A_96, %parallel_loop3A_102 : i32
      %parallel_loop3A_104 = arith.extui %parallel_loop3A_103 : i1 to i32
      %parallel_loop3A_105 = arith.subi %parallel_loop3A_101, %parallel_loop3A_104 : i32
      %parallel_loop3A_106 = arith.constant 0 : i32
      %parallel_loop3A_107 = arith.cmpi sgt, %parallel_loop3A_97, %parallel_loop3A_106 : i32
      %parallel_loop3A_108 = arith.extui %parallel_loop3A_107 : i1 to i32
      %parallel_loop3A_109 = arith.constant 0 : i32
      %parallel_loop3A_110 = arith.cmpi slt, %parallel_loop3A_97, %parallel_loop3A_109 : i32
      %parallel_loop3A_111 = arith.extui %parallel_loop3A_110 : i1 to i32
      %parallel_loop3A_112 = arith.subi %parallel_loop3A_108, %parallel_loop3A_111 : i32
      %parallel_loop3A_113 = arith.cmpi ne, %parallel_loop3A_105, %parallel_loop3A_112 : i32
      %parallel_loop3A_114 = arith.remsi %parallel_loop3A_96, %parallel_loop3A_97 : i32
      %parallel_loop3A_115 = arith.constant 0 : i32
      %parallel_loop3A_116 = arith.cmpi ne, %parallel_loop3A_114, %parallel_loop3A_115 : i32
      %parallel_loop3A_117 = arith.andi %parallel_loop3A_113, %parallel_loop3A_116 : i1
      %parallel_loop3A_118 = arith.constant 1 : i32
      %parallel_loop3A_119 = arith.subi %parallel_loop3A_98, %parallel_loop3A_118 : i32
      %parallel_loop3A_120 = arith.select %parallel_loop3A_117, %parallel_loop3A_119, %parallel_loop3A_98 : i32
      %parallel_loop3A_121 = arith.index_cast %parallel_loop3A_120 : i32 to index
      %parallel_loop3A_122 = tpu.vector_load %arg7[%parallel_loop3A_121] {strides = array<i32>} : memref<8192xi32, #tpu.memory_space<vmem>>, vector<16xi32>,
      %parallel_loop3A_123 = arith.constant 65535 : i32
      %parallel_loop3A_124 = vector.broadcast %parallel_loop3A_123 : i32 to vector<16xi32>
      %parallel_loop3A_125 = arith.andi %parallel_loop3A_122, %parallel_loop3A_124 : vector<16xi32>
      %parallel_loop3A_126 = arith.constant 16 : i32
      %parallel_loop3A_127 = vector.broadcast %parallel_loop3A_126 : i32 to vector<16xi32>
      %parallel_loop3A_128 = arith.shrui %parallel_loop3A_122, %parallel_loop3A_127 : vector<16xi32>
      %parallel_loop3A_129 = tpu.vector_load_idx %arg8[%parallel_loop3A_125] : memref<16384xf32, #tpu.memory_space<vmem>>[vector<16xi32>], vector<16xf32>,
      %parallel_loop3A_130 = arith.index_cast %parallel_loop3A_96 : i32 to index
      %parallel_loop3A_131 = tpu.vector_load %arg11[%parallel_loop3A_130] {strides = array<i32>} : memref<16384xf32, #tpu.memory_space<vmem>>, vector<16xf32>,
      tpu.vector_store %arg11[%parallel_loop3A_130], %parallel_loop3A_129 {strides = array<i32>} : memref<16384xf32, #tpu.memory_space<vmem>>, vector<16xf32>,
      %parallel_loop3A_132 = tpu.vector_load_idx %arg8[%parallel_loop3A_128] : memref<16384xf32, #tpu.memory_space<vmem>>[vector<16xi32>], vector<16xf32>,
      %parallel_loop3A_133 = arith.constant 16 : i32
      %parallel_loop3A_134 = arith.addi %parallel_loop3A_96, %parallel_loop3A_133 : i32
      %parallel_loop3A_135 = arith.index_cast %parallel_loop3A_134 : i32 to index
      %parallel_loop3A_136 = tpu.vector_load %arg11[%parallel_loop3A_135] {strides = array<i32>} : memref<16384xf32, #tpu.memory_space<vmem>>, vector<16xf32>,
      tpu.vector_store %arg11[%parallel_loop3A_135], %parallel_loop3A_132 {strides = array<i32>} : memref<16384xf32, #tpu.memory_space<vmem>>, vector<16xf32>,
    } {sc.loop_unroll_factor = 8 : i64, sc.parallel_access}
    %dma_start3A_55 = arith.constant 0 : i32
    %dma_start3A_56 = tpu.memref_slice %arg4[%add3A_40, %dma_start3A_55] : memref<8192x16384xf32, #tpu.memory_space<hbm>> -> memref<1x16384xf32, #tpu.memory_space<hbm>>
    %dma_start3A_57 = tpu.memref_squeeze %dma_start3A_56 : memref<1x16384xf32, #tpu.memory_space<hbm>> -> memref<16384xf32, #tpu.memory_space<hbm>>
    %dma_start3A_58 = arith.constant 0 : i32
    %dma_start3A_59 = tpu.memref_slice %arg4[%add3A_40, %dma_start3A_58] : memref<8192x16384xf32, #tpu.memory_space<hbm>> -> memref<1x16384xf32, #tpu.memory_space<hbm>>
    %dma_start3A_60 = tpu.memref_squeeze %dma_start3A_59 : memref<1x16384xf32, #tpu.memory_space<hbm>> -> memref<16384xf32, #tpu.memory_space<hbm>>
    tpu.enqueue_dma source(%arg11 : memref<16384xf32, #tpu.memory_space<vmem>>) target(%dma_start3A_60 : memref<16384xf32, #tpu.memory_space<hbm>>) target_semaphore(%arg17 : memref<!tpu.dma_semaphore, #tpu.memory_space<semaphore_mem>>)
    %add3A_61 = arith.constant 256 : i32
    %add3A_62 = arith.addi %mul3A_9, %add3A_61 : i32
    %sub3A = arith.constant 1 : i32
    %sub3A_63 = arith.subi %add3A_62, %sub3A : i32
    %sub3A_64 = arith.constant 0 : i32
    %sub3A_65 = arith.subi %sub3A_63, %sub3A_64 : i32
    %dma_wait3A_66 = arith.constant 0 : i32
    %dma_wait3A_67 = tpu.memref_slice %arg4[%sub3A_65, %dma_wait3A_66] : memref<8192x16384xf32, #tpu.memory_space<hbm>> -> memref<1x16384xf32, #tpu.memory_space<hbm>>
    %dma_wait3A_68 = tpu.memref_squeeze %dma_wait3A_67 : memref<1x16384xf32, #tpu.memory_space<hbm>> -> memref<16384xf32, #tpu.memory_space<hbm>>
    %dma_wait3A_69 = arith.constant 0 : i32
    %dma_wait3A_70 = tpu.memref_slice %arg4[%sub3A_65, %dma_wait3A_69] : memref<8192x16384xf32, #tpu.memory_space<hbm>> -> memref<1x16384xf32, #tpu.memory_space<hbm>>
    %dma_wait3A_71 = tpu.memref_squeeze %dma_wait3A_70 : memref<1x16384xf32, #tpu.memory_space<hbm>> -> memref<16384xf32, #tpu.memory_space<hbm>>
    tpu.wait_dma2 semaphore(%arg17 : memref<!tpu.dma_semaphore, #tpu.memory_space<semaphore_mem>>) src(%arg11 : memref<16384xf32, #tpu.memory_space<vmem>>) dst(%dma_wait3A_71 : memref<16384xf32, #tpu.memory_space<hbm>>)
    %add3A_72 = arith.constant 256 : i32
    %add3A_73 = arith.addi %mul3A_9, %add3A_72 : i32
    %sub3A_74 = arith.constant 1 : i32
    %sub3A_75 = arith.subi %add3A_73, %sub3A_74 : i32
    %sub3A_76 = arith.constant 2 : i32
    %sub3A_77 = arith.subi %sub3A_75, %sub3A_76 : i32
    %dma_wait3A_78 = arith.constant 0 : i32
    %dma_wait3A_79 = tpu.memref_slice %arg4[%sub3A_77, %dma_wait3A_78] : memref<8192x16384xf32, #tpu.memory_space<hbm>> -> memref<1x16384xf32, #tpu.memory_space<hbm>>
    %dma_wait3A_80 = tpu.memref_squeeze %dma_wait3A_79 : memref<1x16384xf32, #tpu.memory_space<hbm>> -> memref<16384xf32, #tpu.memory_space<hbm>>
    %dma_wait3A_81 = arith.constant 0 : i32
    %dma_wait3A_82 = tpu.memref_slice %arg4[%sub3A_77, %dma_wait3A_81] : memref<8192x16384xf32, #tpu.memory_space<hbm>> -> memref<1x16384xf32, #tpu.memory_space<hbm>>
    %dma_wait3A_83 = tpu.memref_squeeze %dma_wait3A_82 : memref<1x16384xf32, #tpu.memory_space<hbm>> -> memref<16384xf32, #tpu.memory_space<hbm>>
    tpu.wait_dma2 semaphore(%arg18 : memref<!tpu.dma_semaphore, #tpu.memory_space<semaphore_mem>>) src(%arg12 : memref<16384xf32, #tpu.memory_space<vmem>>) dst(%dma_wait3A_83 : memref<16384xf32, #tpu.memory_space<hbm>>)
    %add3A_84 = arith.constant 256 : i32
    %add3A_85 = arith.addi %mul3A_9, %add3A_84 : i32
    %sub3A_86 = arith.constant 1 : i32
    %sub3A_87 = arith.subi %add3A_85, %sub3A_86 : i32
    %sub3A_88 = arith.constant 1 : i32
    %sub3A_89 = arith.subi %sub3A_87, %sub3A_88 : i32
    %dma_wait3A_90 = arith.constant 0 : i32
    %dma_wait3A_91 = tpu.memref_slice %arg4[%sub3A_89, %dma_wait3A_90] : memref<8192x16384xf32, #tpu.memory_space<hbm>> -> memref<1x16384xf32, #tpu.memory_space<hbm>>
    %dma_wait3A_92 = tpu.memref_squeeze %dma_wait3A_91 : memref<1x16384xf32, #tpu.memory_space<hbm>> -> memref<16384xf32, #tpu.memory_space<hbm>>
    %dma_wait3A_93 = arith.constant 0 : i32
    %dma_wait3A_94 = tpu.memref_slice %arg4[%sub3A_89, %dma_wait3A_93] : memref<8192x16384xf32, #tpu.memory_space<hbm>> -> memref<1x16384xf32, #tpu.memory_space<hbm>>
    %dma_wait3A_95 = tpu.memref_squeeze %dma_wait3A_94 : memref<1x16384xf32, #tpu.memory_space<hbm>> -> memref<16384xf32, #tpu.memory_space<hbm>>
    tpu.wait_dma2 semaphore(%arg19 : memref<!tpu.dma_semaphore, #tpu.memory_space<semaphore_mem>>) src(%arg13 : memref<16384xf32, #tpu.memory_space<vmem>>) dst(%dma_wait3A_95 : memref<16384xf32, #tpu.memory_space<hbm>>)
    return
  }
}

</mosaic_0001>

<sc_bundles>
// kernel: kernel.3.cloned.1.call-start
scs
__scs_entry_jumppad:
0x0: {  	(pc) =	sbr.rel $0x88, $3  }
0x1: {  	(tag) =	ssettag $0x0;
	lr =	simm.s32 $0x1  }
0x2: {  	[smem:$0x3F9F] =	sst lr;
	_ =	strace $0xD0000000  }
0x3: {  	_ = 	snop  }
0x4: {  	_ = 	snop  }
0x5: {  	_ = 	snop  }
0x6: {  	_ = 	snop  }
0x7: {  	_ = 	snop  }
__scs_overlays_trampoline_lowered:
0x8: {  	[smem:$0x3FAE] =	sst s0  }
0x9: {  	[smem:$0x3FAF] =	sst s1  }
0xa: {  	[smem:$0x3FB0] =	sst s2  }
0xb: {  	[smem:$0x3FB1] =	sst s3  }
0xc: {  	[smem:$0x3FB2] =	sst s4  }
0xd: {  	[smem:$0x3FB3] =	sst s5  }
0xe: {  	[smem:$0x3FB4] =	sst s6  }
0xf: {  	[smem:$0x3FB5] =	sst s7  }
0x10: {  	[smem:$0x3FB6] =	sst s8  }
0x11: {  	[smem:$0x3FB7] =	sst s9;
	s0 =	simm.s32 @!p0 $0x0  }
0x12: {  	s1 =	sld [smem:$0x3F9D];
	s0 =	simm.s32 @p0 $0x1  }
0x13: {  	[smem:$0x3FB8] =	sst s0;
	s0 =	simm.s32 @!p1 $0x0  }
0x14: {  	s2 =	sld [smem:$0x3F9C];
	s0 =	simm.s32 @p1 $0x1  }
0x15: {  	[smem:$0x3FB9] =	sst s0;
	s0 =	simm.s32 @!p2 $0x0  }
0x16: {  	s3 =	sld [smem:$0x3FDB];
	s0 =	simm.s32 @p2 $0x1  }
0x17: {  	s4 =	simm.s32 $0x1BF5;
	[smem:$0x3FBB] =	sst s0  }
0x18: {  	s0 =	sld [smem:$0x3F9E];
	_ =	swait.ge [sflag:s4], $0x0  }
0x19: {  	s7 =	sld [smem:$0x3F9F]  }
0x1a: {  	s8 =	sadd.s32 $0xFFFFE003, lr  }
0x1b: {  	s9 =	sadd.s32 $0xFFFFFEF7, lr;
	s5 =	simm.s32 $0xFFFFFFFF;
	p2 =	slt.u32 s8, $0xFFFFF086  }
0x1c: {  	p1 =	slt.u32 s9, $0xF7A;
	s5 =	simm.s32 @!p2 $0x0  }
0x1d: {  	s5 =	simm.s32 @p1 $0x1;
	p0 =	seq.s32 s7, s2  }
0x1e: {  	s7 =	smul.u32 @!p0 $0xF7A, s2;
	p2 =	seq.s32 @!p0 s5, $0x0  }
0x1f: {  	s9 =	smul.u32 $0xF7A, s1;
	s8 =	simm.s32 @!p0 $0x1BF5;
	p2 =	por !p2, p0  }
0x20: {  	[sflag:s8] =	ssyncset.s32 @!p0 $0xFFFFF086;
	s6 =	sadd.s32 @!p0 s3, s7;
	s7 =	simm.s32 @!p0 $0x108  }
0x21: {  	s3 =	sadd.s32 s3, s9;
	s6 =	sadd.s32 @!p0 $0x88, s6;
	s7 =	simm.s32 @p2 $0x1082  }
0x22: {  	[simem:s7], [sflag:s8] =	dma.local @!p0 [hbm:s6], $0xF7A  }
0x23: {  	s9 =	sor.u32 $0xD0000000, s2;
	s6 =	simm.s32 $0x108;
	_ =	swait.ge @!p0 [sflag:s8], $0x0  }
0x24: {  	s3 =	sadd.s32 $0x88, s3;
	s6 =	simm.s32 @!p1 $0x1082;
	[sflag:s4] =	ssyncset.s32 $0xFFFFF086  }
0x25: {  	[simem:s6], [sflag:s4] =	dma.local [hbm:s3], $0xF7A  }
0x26: {  	[smem:$0x3F9F] =	sst s1;
	(tag) =	ssettag s2;
	_ =	strace s9  }
0x27: {  	s1 =	sld [smem:$0x3FAF]  }
0x28: {  	s2 =	sld [smem:$0x3FB0]  }
0x29: {  	s4 =	sld [smem:$0x3FB2]  }
0x2a: {  	p0 =	seq.s32 s5, $0x0;
	s5 =	sld [smem:$0x3FB3]  }
0x2b: {  	s6 =	sld [smem:$0x3FB4]  }
0x2c: {  	s7 =	sld [smem:$0x3FB5]  }
0x2d: {  	s3 =	simm.s32 $0x108;
	s8 =	sld [smem:$0x3FB6]  }
0x2e: {  	s3 =	simm.s32 @!p0 $0x1082;
	s9 =	sld [smem:$0x3FB7]  }
0x2f: {  	lr =	sadd.s32 s0, s3;
	s0 =	sld [smem:$0x3FAE]  }
0x30: {  	s3 =	sld [smem:$0x3FB1]  }
0x31: {  	[smem:$0x3FBA] =	sst s10  }
0x32: {  	s10 =	sld [smem:$0x3FB8];
	_ =	sdelay $0x3  }
0x33: {  	p0 =	seq.s32 s10, $0x1;
	s10 =	sld [smem:$0x3FBA];
	_ =	sdelay $0x3  }
0x34: {  	[smem:$0x3FBA] =	sst s10  }
0x35: {  	s10 =	sld [smem:$0x3FB9];
	_ =	sdelay $0x3  }
0x36: {  	p1 =	seq.s32 s10, $0x1;
	s10 =	sld [smem:$0x3FBA];
	_ =	sdelay $0x3  }
0x37: {  	[smem:$0x3FBA] =	sst s10  }
0x38: {  	s10 =	sld [smem:$0x3FBB]  }
0x39: {  	_ = 	snop;
	(pc) =	sbr.ind lr, $3  }
0x3a: {  	_ = 	snop  }
0x3b: {  	_ = 	snop  }
0x3c: {  	p2 =	seq.s32 s10, $0x1;
	s10 =	sld [smem:$0x3FBA]  }
0x3d: {  	_ =	shalt  }
0x3e: {  	_ =	shalt  }
0x3f: {  	_ =	shalt  }
0x40: {  	_ =	shalt  }
0x41: {  	_ =	shalt  }
0x42: {  	_ =	shalt  }
0x43: {  	_ =	shalt  }
0x44: {  	_ =	shalt  }
0x45: {  	_ =	shalt  }
0x46: {  	_ =	shalt  }
0x47: {  	_ =	shalt  }
0x48: {  	_ =	shalt  }
0x49: {  	_ =	shalt  }
0x4a: {  	_ =	shalt  }
0x4b: {  	_ =	shalt  }
0x4c: {  	_ =	shalt  }
0x4d: {  	_ =	shalt  }
0x4e: {  	_ =	shalt  }
0x4f: {  	_ =	shalt  }
0x50: {  	_ =	shalt  }
0x51: {  	_ =	shalt  }
0x52: {  	_ =	shalt  }
0x53: {  	_ =	shalt  }
0x54: {  	_ =	shalt  }
0x55: {  	_ =	shalt  }
0x56: {  	_ =	shalt  }
0x57: {  	_ =	shalt  }
0x58: {  	_ =	shalt  }
0x59: {  	_ =	shalt  }
0x5a: {  	_ =	shalt  }
0x5b: {  	_ =	shalt  }
0x5c: {  	_ =	shalt  }
0x5d: {  	_ =	shalt  }
0x5e: {  	_ =	shalt  }
0x5f: {  	_ =	shalt  }
0x60: {  	_ =	shalt  }
0x61: {  	_ =	shalt  }
0x62: {  	_ =	shalt  }
0x63: {  	_ =	shalt  }
0x64: {  	_ =	shalt  }
0x65: {  	_ =	shalt  }
0x66: {  	_ =	shalt  }
0x67: {  	_ =	shalt  }
0x68: {  	_ =	shalt  }
0x69: {  	_ =	shalt  }
0x6a: {  	_ =	shalt  }
0x6b: {  	_ =	shalt  }
0x6c: {  	_ =	shalt  }
0x6d: {  	_ =	shalt  }
0x6e: {  	_ =	shalt  }
0x6f: {  	_ =	shalt  }
0x70: {  	_ =	shalt  }
0x71: {  	_ =	shalt  }
0x72: {  	_ =	shalt  }
0x73: {  	_ =	shalt  }
0x74: {  	_ =	shalt  }
0x75: {  	_ =	shalt  }
0x76: {  	_ =	shalt  }
0x77: {  	_ =	shalt  }
0x78: {  	_ =	shalt  }
0x79: {  	_ =	shalt  }
0x7a: {  	_ =	shalt  }
0x7b: {  	_ =	shalt  }
0x7c: {  	_ =	shalt  }
0x7d: {  	_ =	shalt  }
0x7e: {  	_ =	shalt  }
0x7f: {  	_ =	shalt  }
0x80: {  	_ =	shalt  }
0x81: {  	_ =	shalt  }
0x82: {  	_ =	shalt  }
0x83: {  	_ =	shalt  }
0x84: {  	_ =	shalt  }
0x85: {  	_ =	shalt  }
0x86: {  	_ =	shalt  }
0x87: {  	_ =	shalt  }
.Lfunc_end0:
.L_simem_size_0:
called_computation_lowered:
.L_overlay_start_0:
0x88: {  	s2 =	sld [smem:$0x3FD9]  }
0x89: {  	s3 =	sld [smem:$0x3FFE];
	_ =	sdelay $0x1  }
0x8a: {  	s1 =	srdreg.scid  }
0x8b: {  	s0 =	sand.u32 $0x1, s1  }
0x8c: {  	s15 =	sshll.u32 s0, $0xA;
	s2 =	sadd.s32 s3, s2  }
0x8d: {  	s2 =	sadd.s32 s2, s15  }
0x8e: {  	[smem:$0x3FC6] =	sst s2  }
0x8f: {  	_ = 	snop  }
0x90: {  	s2 =	sld [smem:$0x3FD0];
	_ =	sdelay $0x1  }
0x91: {  	s16 =	sld [smem:$0x3FC9]  }
0x92: {  	s5 =	simm.s32 $0xA;
	s6 =	simm.s32 $0x10;
	s4 =	sld [smem:$0x3FC8]  }
0x93: {  	[smem:s6], [sflag:s5] =	dma.local [hbm:s2], $0x1  }
0x94: {  	_ =	swait.eq [sflag:s5], $0x1  }
0x95: {  	[sflag:s5] =	ssyncset.done $0x0  }
0x96: {  	s17 =	sld [smem:$0x10];
	[sflag:s5] =	ssyncadd.s32 $0xFFFFFFFF  }
0x97: {  	s18 =	sld [smem:$0x11];
	(tm) =	ssettm $0x1  }
0x98: {  	s19 =	sld [smem:$0x3FFB];
	_ =	sdelay $0x3  }
0x99: {  	_ =	strace s19  }
0x9a: {  	s6 =	sld [smem:$0x3FFC];
	_ =	sdelay $0x3  }
0x9b: {  	_ =	strace s6  }
0x9c: {  	s6 =	sld [smem:$0x3FFD];
	_ =	sdelay $0x3  }
0x9d: {  	_ =	strace s6  }
0x9e: {  	_ =	strace $0x8FFFFFFF  }
0x9f: {  	s20 =	sld [smem:$0x3FDB];
	_ =	sdelay $0x1  }
0xa0: {  	s7 =	simm.s32 $_scs_section_size  }
0xa1: {  	s8 =	simm.s32 $_size__tile_overlayer_lowered;
	s9 =	simm.s32 $_tile_overlayer_lowered  }
0xa2: {  	s23 =	simm.s32 $0x1BFF;
	s22 =	sshll.u32 s9, $0x1;
	s6 =	sadd.s32 s7, s20  }
0xa3: {  	s10 =	simm.s32 $0x0;
	s21 =	sshll.u32 s8, $0x1;
	s8 =	sadd.s32 s22, s6  }
0xa4: {  	[timem:s10], [sflag:s23] =	dma.local [hbm:s8], s21  }
0xa5: {  	_ =	swait.ge [sflag:s23], s21  }
0xa6: {  	s7 =	ssub.s32 $0x0, s21;
	[sflag:s23] =	ssyncset.done $0x0  }
0xa7: {  	[sflag:s23] =	ssyncadd.s32 s7;
	_ =	sdelay $0x1  }
0xa8: {  	s24 =	simm.s32 $0x1B8B  }
0xa9: {  	_ =	swait.ge [sflag:s24], $0x1  }
0xaa: {  	[sflag:s24] =	ssyncset.done $0x0  }
0xab: {  	s25 =	simm.s32 $0x1B8E;
	[sflag:s24] =	ssyncadd.s32 $0xFFFFFFFF  }
0xac: {  	s26 =	simm.s32 $execute0_lowered;
	[smem:$0x3FD2] =	sst s25  }
0xad: {  	s7 =	sshll.u32 s26, $0x1;
	_ =	strace $0x80000046;
	[dreg:$0x1] =	wrdreg $0xFFFFFFFF  }
0xae: {  	s28 =	simm.s32 $_size_execute0_lowered;
	s6 =	sadd.s32 s6, s7;
	[dreg:$0x0] =	wrdreg $0x0  }
0xaf: {  	s7 =	sshll.u32 s28, $0x1;
	[dreg:$0x2] =	wrdreg s6  }
0xb0: {  	[dreg:$0x3] =	wrdreg s7  }
0xb1: {  	[dreg:$0x4] =	wrdreg $0xC0  }
0xb2: {  	_ =	task [dreg:s10], $0x5FFFF  }
0xb3: {  	[dreg:$0x1] =	wrdreg $0xFFFFFFFF  }
0xb4: {  	[dreg:$0x0] =	wrdreg $0x60  }
0xb5: {  	[dreg:$0x2] =	wrdreg s16  }
0xb6: {  	[dreg:$0x3] =	wrdreg s4  }
0xb7: {  	[dreg:$0x4] =	wrdreg s17  }
0xb8: {  	[dreg:$0x5] =	wrdreg s18  }
0xb9: {  	[dreg:$0x6] =	wrdreg $0x9  }
0xba: {  	_ =	task.clear_ibuf [dreg:s10], $0x7FFFF;
	_ =	strace $0x90000046  }
0xbb: {  	s29 =	simm.s32 $0x9;
	_ =	strace $0x80000048  }
0xbc: {  	_ =	swait.ge [sflag:s29], $0x1  }
0xbd: {  	[sflag:s29] =	ssyncadd.s32 $0xFFFFFFFF  }
0xbe: {  	_ =	strace $0x90000048  }
0xbf: {  	_ =	sfence  }
0xc0: {  	s30 =	sld [smem:$0x0];
	_ =	sdelay $0x2  }
0xc1: {  	s31 =	sshll.u32 s1, $0xD;
	s1 =	sshrl.u32 s1, $0x2  }
0xc2: {  	s3 =	sand.u32 $0x4000, s31;
	s1 =	sadd.s32 s1, s30  }
0xc3: {  	s0 =	sor.u32 s3, s0;
	s1 =	sshll.u32 s1, $0x11  }
0xc4: {  	s0 =	sor.u32 s1, s0  }
0xc5: {  	s0 =	sadd.s32 $0x8F2B, s0  }
0xc6: {  	[sflag:s0] =	ssyncadd.remote.s32 $0x1  }
0xc7: {  	_ =	sfence.sel $0xFFFF  }
0xc8: {  	[dreg:$0x0] =	wrdreg $0xFFFFFFFF;
	(pc) =	sbr.abs _section_cstart, $3  }
0xc9: {  	[dreg:$0x1] =	wrdreg $0xFFFFFFFF  }
0xca: {  	_ =	task.clear_ibuf [dreg:s10], $0x2FFFF;
	_ =	strace $0x9FFFFFFF  }
0xcb: {  	(tm) =	ssettm $0x7FFFFFFF  }
tec
execute0_lowered:
.L_overlay_start_1:
0x0: {  	(tag) =	ssettag $0x1  }
0x1: {  	s1 =	rddreg [dreg:$0x0]  }
0x2: {  	s4 =	rddreg [dreg:$0x2]  }
0x3: {  	s0 =	srdreg.scid;
	s3 =	stileid.u32  }
0x4: {  	s6 =	simm.s32 $0x0;
	s13 =	simm.s32 $0x7;
	s14 =	simm.s32 $0x80  }
0x5: {  	s15 =	simm.s32 $0x400;
	s16 =	simm.s32 $0x6000;
	s17 =	simm.s32 $0xA000  }
0x6: {  	s18 =	simm.s32 $0xE000;
	s19 =	simm.s32 $0x1;
	s20 =	simm.s32 $0x12000  }
0x7: {  	s21 =	simm.s32 $0x2;
	s22 =	simm.s32 $0x16000;
	s23 =	simm.s32 $0x3  }
0x8: {  	s24 =	simm.s32 $0x1A000;
	s25 =	simm.s32 $0x4;
	s26 =	simm.s32 $0x5  }
0x9: {  	s28 =	simm.s32 $0x6;
	s0 =	sand.u32 $0x1, s0;
	s3 =	sshll.u32 s3, $0x1  }
0xa: {  	[smem:$0x7FF] =	sst s6;
	s2 =	ssub.s32 $0x2, s0;
	s0 =	sor.u32 s0, s3  }
0xb: {  	s29 =	simm.s32 $0x0;
	_ =	strace $0x80000047;
	s3 =	sshll.u32 s0, $0x13  }
0xc: {  	s5 =	sshrl.u32 s2, $0x1;
	s7 =	sshll.u32 s0, $0x8;
	s8 =	sadd.s32 s1, s3  }
0xd: {  	p0 =	sne.s32 s0, $0x0;
	s2 =	ssub.s32 s2, s5;
	s30 =	sadd.s32 $0x10, s8  }
0xe: {  	s3 =	sadd.s32 s3, s4;
	s31 =	sadd.s32 $0x20, s8;
	[dreg:$0x5] =	wrdreg s30  }
0xf: {  	v0 =	vlaneseq.u32;
	s11 =	sadd.s32 $0x7C070, s3;
	s12 =	smax.u32 s2, $0x1;
	[dreg:$0x6] =	wrdreg s31  }
.LBB2_1:
0x10: {  	s0 =	rddreg [dreg:$0x1]  }
0x11: {  	[tilespmem:s16], [sflag:$0x7] =	stream.linear.gather [hbm4b:s0+s6], $0x4000, $0x38;
	[tilespmem:$0x1E000] =	vst v63  }
0x12: {  	_ =	swait.ge [sflag:s13], $0x4000  }
0x13: {  	[sflag:s13] =	ssyncset.done $0x0  }
0x14: {  	[sflag:s13] =	ssyncadd.s32 $0xFFFFC000  }
0x15: {  	v1 =	vld [tilespmem:s16+$0x0];
	_ =	sdelay $0x3  }
0x16: {  	s31 =	simm.s32 $0x6010  }
0x17: {  	v2 =	vld [tilespmem:s31+$0x0];
	v1 =	vtrunc.f32 v1  }
0x18: {  	v1 =	vcvt.f32.s32 v1;
	_ =	sdelay $0x2  }
0x19: {  	s2 =	simm.s32 $0x0;
	s3 =	simm.s32 $0x20  }
0x1a: {  	s5 =	simm.s32 $0x6020;
	s0 =	simm.s32 $0x10;
	v3 =	vor.u32 s2, v0;
	s2 =	simm.s32 $0x20;
	v2 =	vtrunc.f32 v2  }
.LBB2_2:
0x1b: {  	s3 =	sadd.s32 $0x10, s3  }
0x1c: {  	v4 =	vld [tilespmem:s5+$0x0];
	[tilespmem:v1+s6+$0x0] =	vst.idx.msk $0xffff, v3;
	v1 =	vcvt.f32.s32 v2;
	p1 =	slt.u32 s3, $0x3FF0  }
.Ltmp0:
0x1d: {  	(pc) =	sbr.rel @p1 .LBB2_2-.Ltmp0, $2  }
0x1e: {  	_ =	sdelay $0x2  }
0x1f: {  	s5 =	sadd.s32 $0x10, s5;
	v3 =	vor.u32 s0, v0;
	s0 =	smov.u32 s2;
	s2 =	smov.u32 s3;
	v2 =	vtrunc.f32 v4  }
0x20: {  	v4 =	vld [tilespmem:s5+$0x0];
	_ =	sdelay $0x4  }
0x21: {  	v2 =	vcvt.f32.s32 v2;
	v4 =	vtrunc.f32 v4  }
0x22: {  	v4 =	vcvt.f32.s32 v4;
	_ =	sdelay $0x3  }
0x23: {  	[tilespmem:v1+s6+$0x0] =	vst.idx.msk $0xffff, v3;
	v1 =	vor.u32 s0, v0  }
0x24: {  	[tilespmem:v2+s6+$0x0] =	vst.idx.msk $0xffff, v1;
	v1 =	vor.u32 s2, v0  }
0x25: {  	s0 =	simm.s32 @!p0 $0x0;
	s2 =	rddreg [dreg:$0x3];
	[tilespmem:v4+s6+$0x0] =	vst.idx.msk $0xffff, v1  }
0x26: {  	[hbm4b:s2+s0] =	stream.linear.scatter @!p0 [tilespmem:s0], [sflag:$0x7], $0x4000, $0x38;
	[tilespmem:$0x1E000] =	vst v63  }
0x27: {  	s0 =	simm.s32 @!p0 $0x7  }
0x28: {  	_ =	swait.ge @!p0 [sflag:s0], $0x4000  }
0x29: {  	[sflag:s0] =	ssyncset.done @!p0 $0x0  }
0x2a: {  	s31 =	simm.s32 $0x10;
	[sflag:s0] =	ssyncadd.s32 @!p0 $0xFFFFC000  }
0x2b: {  	v2 =	vld [tilespmem:s31+$0x0]  }
0x2c: {  	v3 =	vld [tilespmem:s31+$0xFFFFFFF0];
	_ =	sdelay $0x2  }
0x2d: {  	s3 =	simm.s32 $0x30  }
0x2e: {  	v1 =	vld [tilespmem:s3+$0xFFFFFFF0];
	v4 =	vshll.u32 v2, $0x10  }
0x2f: {  	s2 =	simm.s32 $0x20;
	s0 =	simm.s32 $0x4000;
	v2 =	vld [tilespmem:s3+$0x0];
	s3 =	simm.s32 $0x50;
	v3 =	vor.u32 v3, v4  }
.LBB2_4:
0x30: {  	s2 =	sadd.s32 $0x20, s2  }
0x31: {  	v4 =	vld [tilespmem:s3+$0xFFFFFFF0];
	[tilespmem:s0+$0x0] =	vst v3;
	s0 =	sadd.s32 $0x10, s0;
	p1 =	slt.u32 s2, $0x3FE0  }
.Ltmp1:
0x32: {  	(pc) =	sbr.rel @p1 .LBB2_4-.Ltmp1, $3  }
0x33: {  	_ =	sdelay $0x1  }
0x34: {  	v3 =	vshll.u32 v2, $0x10  }
0x35: {  	v2 =	vld [tilespmem:s3+$0x0];
	s3 =	sadd.s32 $0x20, s3;
	v3 =	vor.u32 v1, v3;
	v1 =	vmov v4  }
0x36: {  	_ =	sdelay $0x3  }
0x37: {  	v2 =	vshll.u32 v2, $0x10  }
0x38: {  	[tilespmem:s0+$0x0] =	vst v3;
	s10 =	sadd.s32 $0x10, s0;
	v1 =	vor.u32 v1, v2  }
0x39: {  	[tilespmem:s10+$0x0] =	vst v1  }
0x3a: {  	[tilespmem:s16], [sflag:$0x1] =	stream.strided.gather [hbm4b:s8+s14], $0x4000, s15, s14, $0x38;
	[tilespmem:$0x1E000] =	vst v63  }
0x3b: {  	s0 =	rddreg [dreg:$0x5]  }
0x3c: {  	[tilespmem:s17], [sflag:$0x2] =	stream.strided.gather [hbm4b:s0+s14], $0x4000, s15, s14, $0x38;
	[tilespmem:$0x1E000] =	vst v63  }
0x3d: {  	s30 =	simm.s32 $0x0;
	s31 =	rddreg [dreg:$0x6]  }
0x3e: {  	[tilespmem:s18], [sflag:$0x3] =	stream.strided.gather [hbm4b:s31+s14], $0x4000, s15, s14, $0x38;
	[tilespmem:$0x1E000] =	vst v63  }
.LBB2_6:
0x3f: {  	_ =	swait.ge [sflag:s19], $0x4000  }
0x40: {  	p1 =	seq.s32 s30, $0x0;
	[sflag:s19] =	ssyncset.done $0x0  }
0x41: {  	s0 =	simm.s32 @!p1 $0x4;
	[sflag:s19] =	ssyncadd.s32 $0xFFFFC000  }
0x42: {  	_ =	swait.ge @!p1 [sflag:s0], $0x4000  }
0x43: {  	[sflag:s0] =	ssyncset.done @!p1 $0x0  }
0x44: {  	s10 =	simm.s32 $0x4040;
	[sflag:s0] =	ssyncadd.s32 @!p1 $0xFFFFC000  }
0x45: {  	v1 =	vld [tilespmem:s10+$0x30]  }
0x46: {  	v2 =	vld [tilespmem:s10+$0xFFFFFFD0]  }
0x47: {  	v3 =	vld [tilespmem:s10+$0xFFFFFFE0]  }
0x48: {  	v4 =	vld [tilespmem:s10+$0xFFFFFFF0]  }
0x49: {  	v5 =	vld [tilespmem:s10+$0x0]  }
0x4a: {  	v6 =	vld [tilespmem:s10+$0x10];
	v7 =	vand.u32 $0xFFFF, v1  }
0x4b: {  	v9 =	vld [tilespmem:s10+$0x20];
	v8 =	vand.u32 $0xFFFF, v2  }
0x4c: {  	v11 =	vld [tilespmem:s10+$0xFFFFFFC0];
	v10 =	vand.u32 $0xFFFF, v3  }
0x4d: {  	v12 =	vand.u32 $0xFFFF, v4  }
0x4e: {  	v13 =	vand.u32 $0xFFFF, v5  }
0x4f: {  	v14 =	vand.u32 $0xFFFF, v6;
	v7 =	vld.idx.msk [tilespmem:v7+s16+$0x0], $0xffff  }
0x50: {  	v15 =	vand.u32 $0xFFFF, v9;
	v8 =	vld.idx.msk [tilespmem:v8+s16+$0x0], $0xffff  }
0x51: {  	v16 =	vand.u32 $0xFFFF, v11;
	v10 =	vld.idx.msk [tilespmem:v10+s16+$0x0], $0xffff  }
0x52: {  	v1 =	vshrl.u32 v1, $0x10;
	v12 =	vld.idx.msk [tilespmem:v12+s16+$0x0], $0xffff  }
0x53: {  	v2 =	vshrl.u32 v2, $0x10;
	v13 =	vld.idx.msk [tilespmem:v13+s16+$0x0], $0xffff  }
0x54: {  	s0 =	simm.s32 $0x12080;
	v17 =	vshrl.u32 v3, $0x10;
	v14 =	vld.idx.msk [tilespmem:v14+s16+$0x0], $0xffff  }
0x55: {  	v18 =	vshrl.u32 v4, $0x10;
	v15 =	vld.idx.msk [tilespmem:v15+s16+$0x0], $0xffff;
	[tilespmem:s0+$0x60] =	vst v7  }
0x56: {  	v3 =	vld.idx.msk [tilespmem:v16+s16+$0x0], $0xffff;
	v7 =	vshrl.u32 v5, $0x10;
	[tilespmem:s0+$0xFFFFFFA0] =	vst v8  }
0x57: {  	s31 =	smul.u32 $0x3, s30;
	v8 =	vshrl.u32 v6, $0x10;
	[tilespmem:s0+$0xFFFFFFC0] =	vst v10;
	v19 =	vld.idx.msk [tilespmem:v1+s16+$0x0], $0xffff  }
0x58: {  	[tilespmem:s0+$0xFFFFFFE0] =	vst v12;
	v4 =	vld.idx.msk [tilespmem:v2+s16+$0x0], $0xffff  }
0x59: {  	s2 =	smul.u32 $0x180, s30;
	s3 =	sadd.s32 s7, s31;
	[tilespmem:s0+$0x0] =	vst v13;
	v5 =	vld.idx.msk [tilespmem:v17+s16+$0x0], $0xffff  }
0x5a: {  	s5 =	sshll.u32 s3, $0xE;
	[tilespmem:s0+$0x20] =	vst v14;
	v6 =	vld.idx.msk [tilespmem:v18+s16+$0x0], $0xffff  }
0x5b: {  	s2 =	sand.u32 $0x380, s2;
	s5 =	sand.u32 $0x7FFE0000, s5;
	[tilespmem:s0+$0x40] =	vst v15;
	v7 =	vld.idx.msk [tilespmem:v7+s16+$0x0], $0xffff  }
0x5c: {  	s9 =	simm.s32 $0x40C0;
	s2 =	sor.u32 s2, s5;
	s5 =	simm.s32 $0x0;
	v1 =	vshrl.u32 v9, $0x10;
	v2 =	vshrl.u32 v11, $0x10;
	v8 =	vld.idx.msk [tilespmem:v8+s16+$0x0], $0xffff;
	[tilespmem:s0+$0x70] =	vst v19  }
.LBB2_7:
0x5d: {  	v9 =	vld [tilespmem:s9+$0x30];
	s5 =	sadd.s32 $0x100, s5;
	[tilespmem:s0+$0xFFFFFF80] =	vst v3  }
0x5e: {  	v3 =	vld [tilespmem:s9+$0xFFFFFFD0];
	p2 =	slt.u32 s5, $0x3F00;
	[tilespmem:s0+$0xFFFFFFB0] =	vst v4  }
0x5f: {  	v4 =	vld [tilespmem:s9+$0xFFFFFFE0];
	[tilespmem:s0+$0xFFFFFFD0] =	vst v5  }
0x60: {  	v5 =	vld [tilespmem:s9+$0xFFFFFFF0];
	[tilespmem:s0+$0xFFFFFFF0] =	vst v6  }
0x61: {  	v6 =	vld [tilespmem:s9+$0x0];
	[tilespmem:s0+$0x10] =	vst v7  }
0x62: {  	v7 =	vld [tilespmem:s9+$0x10];
	v10 =	vand.u32 $0xFFFF, v9;
	[tilespmem:s0+$0x30] =	vst v8  }
0x63: {  	v8 =	vshrl.u32 v3, $0x10;
	v3 =	vand.u32 $0xFFFF, v3;
	v11 =	vld [tilespmem:s9+$0x20]  }
0x64: {  	v12 =	vld [tilespmem:s9+$0xFFFFFFC0];
	v13 =	vshrl.u32 v4, $0x10;
	v4 =	vand.u32 $0xFFFF, v4  }
0x65: {  	v14 =	vshrl.u32 v5, $0x10;
	v5 =	vand.u32 $0xFFFF, v5;
	v15 =	vld.idx.msk [tilespmem:v2+s16+$0x0], $0xffff  }
0x66: {  	v16 =	vshrl.u32 v6, $0x10;
	v6 =	vand.u32 $0xFFFF, v6;
	v17 =	vld.idx.msk [tilespmem:v1+s16+$0x0], $0xffff  }
0x67: {  	v18 =	vshrl.u32 v7, $0x10;
	v7 =	vand.u32 $0xFFFF, v7;
	v10 =	vld.idx.msk [tilespmem:v10+s16+$0x0], $0xffff  }
0x68: {  	v3 =	vld.idx.msk [tilespmem:v3+s16+$0x0], $0xffff;
	v1 =	vshrl.u32 v11, $0x10;
	v11 =	vand.u32 $0xFFFF, v11  }
0x69: {  	v9 =	vshrl.u32 v9, $0x10;
	v2 =	vshrl.u32 v12, $0x10;
	v12 =	vand.u32 $0xFFFF, v12;
	v4 =	vld.idx.msk [tilespmem:v4+s16+$0x0], $0xffff  }
0x6a: {  	v5 =	vld.idx.msk [tilespmem:v5+s16+$0x0], $0xffff  }
0x6b: {  	v6 =	vld.idx.msk [tilespmem:v6+s16+$0x0], $0xffff;
	[tilespmem:s0+$0xFFFFFF90] =	vst v15  }
0x6c: {  	v7 =	vld.idx.msk [tilespmem:v7+s16+$0x0], $0xffff;
	[tilespmem:s0+$0x50] =	vst v17;
	s0 =	sadd.s32 $0x100, s0  }
0x6d: {  	v11 =	vld.idx.msk [tilespmem:v11+s16+$0x0], $0xffff;
	[tilespmem:s0+$0x60] =	vst v10  }
0x6e: {  	[tilespmem:s0+$0xFFFFFFA0] =	vst v3;
	v9 =	vld.idx.msk [tilespmem:v9+s16+$0x0], $0xffff  }
0x6f: {  	v3 =	vld.idx.msk [tilespmem:v12+s16+$0x0], $0xffff;
	[tilespmem:s0+$0xFFFFFFC0] =	vst v4  }
.Ltmp2:
0x70: {  	v4 =	vld.idx.msk [tilespmem:v8+s16+$0x0], $0xffff;
	[tilespmem:s0+$0xFFFFFFE0] =	vst v5;
	(pc) =	sbr.rel @p2 .LBB2_7-.Ltmp2, $4  }
0x71: {  	v5 =	vld.idx.msk [tilespmem:v13+s16+$0x0], $0xffff;
	[tilespmem:s0+$0x0] =	vst v6  }
0x72: {  	v6 =	vld.idx.msk [tilespmem:v14+s16+$0x0], $0xffff;
	[tilespmem:s0+$0x20] =	vst v7  }
0x73: {  	v7 =	vld.idx.msk [tilespmem:v16+s16+$0x0], $0xffff;
	[tilespmem:s0+$0x40] =	vst v11  }
0x74: {  	s9 =	sadd.s32 $0x80, s9;
	v8 =	vld.idx.msk [tilespmem:v18+s16+$0x0], $0xffff;
	[tilespmem:s0+$0x70] =	vst v9  }
0x75: {  	_ =	sdelay $0x2  }
0x76: {  	[tilespmem:s0+$0xFFFFFF80] =	vst v3  }
0x77: {  	[tilespmem:s0+$0xFFFFFFB0] =	vst v4;
	v1 =	vld.idx.msk [tilespmem:v1+s16+$0x0], $0xffff  }
0x78: {  	v2 =	vld.idx.msk [tilespmem:v2+s16+$0x0], $0xffff;
	[tilespmem:s0+$0xFFFFFFD0] =	vst v5  }
0x79: {  	[tilespmem:s0+$0xFFFFFFF0] =	vst v6  }
0x7a: {  	[tilespmem:s0+$0x10] =	vst v7  }
0x7b: {  	[tilespmem:s0+$0x30] =	vst v8  }
0x7c: {  	s2 =	sshrl.u32 s2, $0x3;
	s3 =	sadd.s32 $0x3, s3;
	[tilespmem:s0+$0x50] =	vst v1  }
0x7d: {  	s2 =	sadd.s32 s4, s2;
	s5 =	sshll.u32 s3, $0x4;
	[tilespmem:s0+$0xFFFFFF90] =	vst v2  }
0x7e: {  	[hbm4b:s2+s14] =	stream.strided.scatter [tilespmem:s20], [sflag:$0x4], $0x4000, s15, s14, $0x38;
	[tilespmem:$0x1E000] =	vst v63  }
0x7f: {  	s0 =	sshll.u32 s3, $0xB;
	s2 =	sand.u32 $0x70, s5  }
0x80: {  	s0 =	sand.u32 $0xFFFC000, s0;
	s2 =	sadd.s32 s1, s2  }
0x81: {  	s0 =	sadd.s32 s0, s2  }
0x82: {  	[tilespmem:s16], [sflag:$0x1] =	stream.strided.gather [hbm4b:s0+s14], $0x4000, s15, s14, $0x38;
	[tilespmem:$0x1E000] =	vst v63  }
0x83: {  	_ =	swait.ge [sflag:s21], $0x4000  }
0x84: {  	[sflag:s21] =	ssyncset.done $0x0  }
0x85: {  	s0 =	simm.s32 @!p1 $0x5;
	[sflag:s21] =	ssyncadd.s32 $0xFFFFC000  }
0x86: {  	_ =	swait.ge @!p1 [sflag:s0], $0x4000  }
0x87: {  	[sflag:s0] =	ssyncset.done @!p1 $0x0  }
0x88: {  	s9 =	simm.s32 $0x4040;
	[sflag:s0] =	ssyncadd.s32 @!p1 $0xFFFFC000  }
0x89: {  	v1 =	vld [tilespmem:s9+$0x30]  }
0x8a: {  	v2 =	vld [tilespmem:s9+$0xFFFFFFD0]  }
0x8b: {  	v3 =	vld [tilespmem:s9+$0xFFFFFFE0]  }
0x8c: {  	v4 =	vld [tilespmem:s9+$0xFFFFFFF0]  }
0x8d: {  	v5 =	vld [tilespmem:s9+$0x0]  }
0x8e: {  	v6 =	vld [tilespmem:s9+$0x10];
	v7 =	vand.u32 $0xFFFF, v1  }
0x8f: {  	v9 =	vld [tilespmem:s9+$0x20];
	v8 =	vand.u32 $0xFFFF, v2  }
0x90: {  	v11 =	vld [tilespmem:s9+$0xFFFFFFC0];
	v10 =	vand.u32 $0xFFFF, v3  }
0x91: {  	v12 =	vand.u32 $0xFFFF, v4  }
0x92: {  	v13 =	vand.u32 $0xFFFF, v5  }
0x93: {  	v14 =	vand.u32 $0xFFFF, v6;
	v7 =	vld.idx.msk [tilespmem:v7+s17+$0x0], $0xffff  }
0x94: {  	v15 =	vand.u32 $0xFFFF, v9;
	v8 =	vld.idx.msk [tilespmem:v8+s17+$0x0], $0xffff  }
0x95: {  	v16 =	vand.u32 $0xFFFF, v11;
	v10 =	vld.idx.msk [tilespmem:v10+s17+$0x0], $0xffff  }
0x96: {  	v1 =	vshrl.u32 v1, $0x10;
	v12 =	vld.idx.msk [tilespmem:v12+s17+$0x0], $0xffff  }
0x97: {  	v2 =	vshrl.u32 v2, $0x10;
	v13 =	vld.idx.msk [tilespmem:v13+s17+$0x0], $0xffff  }
0x98: {  	s0 =	simm.s32 $0x16080;
	v17 =	vshrl.u32 v3, $0x10;
	v14 =	vld.idx.msk [tilespmem:v14+s17+$0x0], $0xffff  }
0x99: {  	v18 =	vshrl.u32 v4, $0x10;
	v15 =	vld.idx.msk [tilespmem:v15+s17+$0x0], $0xffff;
	[tilespmem:s0+$0x60] =	vst v7  }
0x9a: {  	v3 =	vld.idx.msk [tilespmem:v16+s17+$0x0], $0xffff;
	v7 =	vshrl.u32 v5, $0x10;
	[tilespmem:s0+$0xFFFFFFA0] =	vst v8  }
0x9b: {  	v8 =	vshrl.u32 v6, $0x10;
	[tilespmem:s0+$0xFFFFFFC0] =	vst v10;
	v19 =	vld.idx.msk [tilespmem:v1+s17+$0x0], $0xffff  }
0x9c: {  	[tilespmem:s0+$0xFFFFFFE0] =	vst v12;
	v4 =	vld.idx.msk [tilespmem:v2+s17+$0x0], $0xffff  }
0x9d: {  	s5 =	sadd.s32 $0x1, s31;
	[tilespmem:s0+$0x0] =	vst v13;
	v5 =	vld.idx.msk [tilespmem:v17+s17+$0x0], $0xffff  }
0x9e: {  	s3 =	sadd.s32 s7, s5;
	s5 =	sshll.u32 s5, $0x4;
	[tilespmem:s0+$0x20] =	vst v14;
	v6 =	vld.idx.msk [tilespmem:v18+s17+$0x0], $0xffff  }
0x9f: {  	s10 =	sshll.u32 s3, $0xB;
	s5 =	sand.u32 $0x70, s5;
	[tilespmem:s0+$0x40] =	vst v15;
	v7 =	vld.idx.msk [tilespmem:v7+s17+$0x0], $0xffff  }
0xa0: {  	s2 =	sand.u32 $0xFFFC000, s10;
	s10 =	simm.s32 $0x40C0;
	s9 =	simm.s32 $0x0;
	v1 =	vshrl.u32 v9, $0x10;
	v2 =	vshrl.u32 v11, $0x10;
	v8 =	vld.idx.msk [tilespmem:v8+s17+$0x0], $0xffff;
	[tilespmem:s0+$0x70] =	vst v19  }
.LBB2_9:
0xa1: {  	v9 =	vld [tilespmem:s10+$0x30];
	s9 =	sadd.s32 $0x100, s9;
	[tilespmem:s0+$0xFFFFFF80] =	vst v3  }
0xa2: {  	v3 =	vld [tilespmem:s10+$0xFFFFFFD0];
	p2 =	slt.u32 s9, $0x3F00;
	[tilespmem:s0+$0xFFFFFFB0] =	vst v4  }
0xa3: {  	v4 =	vld [tilespmem:s10+$0xFFFFFFE0];
	[tilespmem:s0+$0xFFFFFFD0] =	vst v5  }
0xa4: {  	v5 =	vld [tilespmem:s10+$0xFFFFFFF0];
	[tilespmem:s0+$0xFFFFFFF0] =	vst v6  }
0xa5: {  	v6 =	vld [tilespmem:s10+$0x0];
	[tilespmem:s0+$0x10] =	vst v7  }
0xa6: {  	v7 =	vld [tilespmem:s10+$0x10];
	v10 =	vand.u32 $0xFFFF, v9;
	[tilespmem:s0+$0x30] =	vst v8  }
0xa7: {  	v8 =	vshrl.u32 v3, $0x10;
	v3 =	vand.u32 $0xFFFF, v3;
	v11 =	vld [tilespmem:s10+$0x20]  }
0xa8: {  	v12 =	vld [tilespmem:s10+$0xFFFFFFC0];
	v13 =	vshrl.u32 v4, $0x10;
	v4 =	vand.u32 $0xFFFF, v4  }
0xa9: {  	v14 =	vshrl.u32 v5, $0x10;
	v5 =	vand.u32 $0xFFFF, v5;
	v15 =	vld.idx.msk [tilespmem:v2+s17+$0x0], $0xffff  }
0xaa: {  	v16 =	vshrl.u32 v6, $0x10;
	v6 =	vand.u32 $0xFFFF, v6;
	v17 =	vld.idx.msk [tilespmem:v1+s17+$0x0], $0xffff  }
0xab: {  	v18 =	vshrl.u32 v7, $0x10;
	v7 =	vand.u32 $0xFFFF, v7;
	v10 =	vld.idx.msk [tilespmem:v10+s17+$0x0], $0xffff  }
0xac: {  	v3 =	vld.idx.msk [tilespmem:v3+s17+$0x0], $0xffff;
	v1 =	vshrl.u32 v11, $0x10;
	v11 =	vand.u32 $0xFFFF, v11  }
0xad: {  	v9 =	vshrl.u32 v9, $0x10;
	v2 =	vshrl.u32 v12, $0x10;
	v12 =	vand.u32 $0xFFFF, v12;
	v4 =	vld.idx.msk [tilespmem:v4+s17+$0x0], $0xffff  }
0xae: {  	v5 =	vld.idx.msk [tilespmem:v5+s17+$0x0], $0xffff  }
0xaf: {  	v6 =	vld.idx.msk [tilespmem:v6+s17+$0x0], $0xffff;
	[tilespmem:s0+$0xFFFFFF90] =	vst v15  }
0xb0: {  	v7 =	vld.idx.msk [tilespmem:v7+s17+$0x0], $0xffff;
	[tilespmem:s0+$0x50] =	vst v17;
	s0 =	sadd.s32 $0x100, s0  }
0xb1: {  	v11 =	vld.idx.msk [tilespmem:v11+s17+$0x0], $0xffff;
	[tilespmem:s0+$0x60] =	vst v10  }
0xb2: {  	[tilespmem:s0+$0xFFFFFFA0] =	vst v3;
	v9 =	vld.idx.msk [tilespmem:v9+s17+$0x0], $0xffff  }
0xb3: {  	v3 =	vld.idx.msk [tilespmem:v12+s17+$0x0], $0xffff;
	[tilespmem:s0+$0xFFFFFFC0] =	vst v4  }
.Ltmp3:
0xb4: {  	v4 =	vld.idx.msk [tilespmem:v8+s17+$0x0], $0xffff;
	[tilespmem:s0+$0xFFFFFFE0] =	vst v5;
	(pc) =	sbr.rel @p2 .LBB2_9-.Ltmp3, $4  }
0xb5: {  	v5 =	vld.idx.msk [tilespmem:v13+s17+$0x0], $0xffff;
	[tilespmem:s0+$0x0] =	vst v6  }
0xb6: {  	v6 =	vld.idx.msk [tilespmem:v14+s17+$0x0], $0xffff;
	[tilespmem:s0+$0x20] =	vst v7  }
0xb7: {  	v7 =	vld.idx.msk [tilespmem:v16+s17+$0x0], $0xffff;
	[tilespmem:s0+$0x40] =	vst v11  }
0xb8: {  	s10 =	sadd.s32 $0x80, s10;
	v8 =	vld.idx.msk [tilespmem:v18+s17+$0x0], $0xffff;
	[tilespmem:s0+$0x70] =	vst v9  }
0xb9: {  	_ =	sdelay $0x2  }
0xba: {  	[tilespmem:s0+$0xFFFFFF80] =	vst v3  }
0xbb: {  	[tilespmem:s0+$0xFFFFFFB0] =	vst v4;
	v1 =	vld.idx.msk [tilespmem:v1+s17+$0x0], $0xffff  }
0xbc: {  	v2 =	vld.idx.msk [tilespmem:v2+s17+$0x0], $0xffff;
	[tilespmem:s0+$0xFFFFFFD0] =	vst v5  }
0xbd: {  	[tilespmem:s0+$0xFFFFFFF0] =	vst v6  }
0xbe: {  	[tilespmem:s0+$0x10] =	vst v7  }
0xbf: {  	[tilespmem:s0+$0x30] =	vst v8  }
0xc0: {  	s5 =	sadd.s32 s4, s5;
	p2 =	seq.s32 s30, $0x54;
	[tilespmem:s0+$0x50] =	vst v1  }
0xc1: {  	s2 =	sadd.s32 s2, s5;
	[tilespmem:s0+$0xFFFFFF90] =	vst v2;
	s0 =	sadd.s32 @!p2 $0x3, s3  }
0xc2: {  	[hbm4b:s2+s14] =	stream.strided.scatter [tilespmem:s22], [sflag:$0x5], $0x4000, s15, s14, $0x38;
	[tilespmem:$0x1E000] =	vst v63  }
0xc3: {  	s2 =	sshll.u32 @!p2 s0, $0x4  }
0xc4: {  	s0 =	sshll.u32 @!p2 s0, $0xB;
	s2 =	sand.u32 @!p2 $0x70, s2  }
0xc5: {  	s5 =	simm.s32 @!p2 $0xA000;
	s0 =	sand.u32 @!p2 $0xFFFC000, s0;
	s2 =	sadd.s32 @!p2 s1, s2  }
0xc6: {  	s3 =	simm.s32 @!p2 $0x400;
	s0 =	sadd.s32 @!p2 s0, s2;
	s2 =	simm.s32 @!p2 $0x80  }
0xc7: {  	[tilespmem:s5], [sflag:$0x2] =	stream.strided.gather @!p2 [hbm4b:s0+s2], $0x4000, s3, s2, $0x38;
	[tilespmem:$0x1E000] =	vst v63  }
0xc8: {  	_ =	swait.ge [sflag:s23], $0x4000  }
0xc9: {  	[sflag:s23] =	ssyncset.done $0x0  }
0xca: {  	s0 =	simm.s32 @!p1 $0x6;
	[sflag:s23] =	ssyncadd.s32 $0xFFFFC000  }
0xcb: {  	_ =	swait.ge @!p1 [sflag:s0], $0x4000  }
0xcc: {  	[sflag:s0] =	ssyncset.done @!p1 $0x0  }
0xcd: {  	s5 =	simm.s32 $0x4040;
	[sflag:s0] =	ssyncadd.s32 @!p1 $0xFFFFC000  }
0xce: {  	v1 =	vld [tilespmem:s5+$0x30]  }
0xcf: {  	v2 =	vld [tilespmem:s5+$0xFFFFFFD0]  }
0xd0: {  	v3 =	vld [tilespmem:s5+$0xFFFFFFE0]  }
0xd1: {  	v4 =	vld [tilespmem:s5+$0xFFFFFFF0]  }
0xd2: {  	v5 =	vld [tilespmem:s5+$0x0]  }
0xd3: {  	v6 =	vld [tilespmem:s5+$0x10];
	v7 =	vand.u32 $0xFFFF, v1  }
0xd4: {  	v9 =	vld [tilespmem:s5+$0x20];
	v8 =	vand.u32 $0xFFFF, v2  }
0xd5: {  	v11 =	vld [tilespmem:s5+$0xFFFFFFC0];
	v10 =	vand.u32 $0xFFFF, v3  }
0xd6: {  	v12 =	vand.u32 $0xFFFF, v4  }
0xd7: {  	v13 =	vand.u32 $0xFFFF, v5  }
0xd8: {  	v14 =	vand.u32 $0xFFFF, v6;
	v7 =	vld.idx.msk [tilespmem:v7+s18+$0x0], $0xffff  }
0xd9: {  	v15 =	vand.u32 $0xFFFF, v9;
	v8 =	vld.idx.msk [tilespmem:v8+s18+$0x0], $0xffff  }
0xda: {  	v16 =	vand.u32 $0xFFFF, v11;
	v10 =	vld.idx.msk [tilespmem:v10+s18+$0x0], $0xffff  }
0xdb: {  	v1 =	vshrl.u32 v1, $0x10;
	v12 =	vld.idx.msk [tilespmem:v12+s18+$0x0], $0xffff  }
0xdc: {  	v2 =	vshrl.u32 v2, $0x10;
	v13 =	vld.idx.msk [tilespmem:v13+s18+$0x0], $0xffff  }
0xdd: {  	s0 =	simm.s32 $0x1A080;
	v17 =	vshrl.u32 v3, $0x10;
	v14 =	vld.idx.msk [tilespmem:v14+s18+$0x0], $0xffff  }
0xde: {  	v18 =	vshrl.u32 v4, $0x10;
	v15 =	vld.idx.msk [tilespmem:v15+s18+$0x0], $0xffff;
	[tilespmem:s0+$0x60] =	vst v7  }
0xdf: {  	v3 =	vld.idx.msk [tilespmem:v16+s18+$0x0], $0xffff;
	v7 =	vshrl.u32 v5, $0x10;
	[tilespmem:s0+$0xFFFFFFA0] =	vst v8  }
0xe0: {  	v8 =	vshrl.u32 v6, $0x10;
	[tilespmem:s0+$0xFFFFFFC0] =	vst v10;
	v19 =	vld.idx.msk [tilespmem:v1+s18+$0x0], $0xffff  }
0xe1: {  	s9 =	sadd.s32 $0x2, s31;
	[tilespmem:s0+$0xFFFFFFE0] =	vst v12;
	v4 =	vld.idx.msk [tilespmem:v2+s18+$0x0], $0xffff  }
0xe2: {  	s31 =	sadd.s32 s7, s9;
	[tilespmem:s0+$0x0] =	vst v13;
	v5 =	vld.idx.msk [tilespmem:v17+s18+$0x0], $0xffff  }
0xe3: {  	s10 =	sshll.u32 s31, $0xB;
	[tilespmem:s0+$0x20] =	vst v14;
	v6 =	vld.idx.msk [tilespmem:v18+s18+$0x0], $0xffff  }
0xe4: {  	s2 =	sand.u32 $0xFFFC000, s10;
	s3 =	sshll.u32 s9, $0x4;
	[tilespmem:s0+$0x40] =	vst v15;
	v7 =	vld.idx.msk [tilespmem:v7+s18+$0x0], $0xffff  }
0xe5: {  	s9 =	simm.s32 $0x40C0;
	s3 =	sand.u32 $0x70, s3;
	s5 =	simm.s32 $0x0;
	v1 =	vshrl.u32 v9, $0x10;
	v2 =	vshrl.u32 v11, $0x10;
	v8 =	vld.idx.msk [tilespmem:v8+s18+$0x0], $0xffff;
	[tilespmem:s0+$0x70] =	vst v19  }
.LBB2_11:
0xe6: {  	v9 =	vld [tilespmem:s9+$0x30];
	s5 =	sadd.s32 $0x100, s5;
	[tilespmem:s0+$0xFFFFFF80] =	vst v3  }
0xe7: {  	v3 =	vld [tilespmem:s9+$0xFFFFFFD0];
	p1 =	slt.u32 s5, $0x3F00;
	[tilespmem:s0+$0xFFFFFFB0] =	vst v4  }
0xe8: {  	v4 =	vld [tilespmem:s9+$0xFFFFFFE0];
	[tilespmem:s0+$0xFFFFFFD0] =	vst v5  }
0xe9: {  	v5 =	vld [tilespmem:s9+$0xFFFFFFF0];
	[tilespmem:s0+$0xFFFFFFF0] =	vst v6  }
0xea: {  	v6 =	vld [tilespmem:s9+$0x0];
	[tilespmem:s0+$0x10] =	vst v7  }
0xeb: {  	v7 =	vld [tilespmem:s9+$0x10];
	v10 =	vand.u32 $0xFFFF, v9;
	[tilespmem:s0+$0x30] =	vst v8  }
0xec: {  	v8 =	vshrl.u32 v3, $0x10;
	v3 =	vand.u32 $0xFFFF, v3;
	v11 =	vld [tilespmem:s9+$0x20]  }
0xed: {  	v12 =	vld [tilespmem:s9+$0xFFFFFFC0];
	v13 =	vshrl.u32 v4, $0x10;
	v4 =	vand.u32 $0xFFFF, v4  }
0xee: {  	v14 =	vshrl.u32 v5, $0x10;
	v5 =	vand.u32 $0xFFFF, v5;
	v15 =	vld.idx.msk [tilespmem:v2+s18+$0x0], $0xffff  }
0xef: {  	v16 =	vshrl.u32 v6, $0x10;
	v6 =	vand.u32 $0xFFFF, v6;
	v17 =	vld.idx.msk [tilespmem:v1+s18+$0x0], $0xffff  }
0xf0: {  	v18 =	vshrl.u32 v7, $0x10;
	v7 =	vand.u32 $0xFFFF, v7;
	v10 =	vld.idx.msk [tilespmem:v10+s18+$0x0], $0xffff  }
0xf1: {  	v3 =	vld.idx.msk [tilespmem:v3+s18+$0x0], $0xffff;
	v1 =	vshrl.u32 v11, $0x10;
	v11 =	vand.u32 $0xFFFF, v11  }
0xf2: {  	v9 =	vshrl.u32 v9, $0x10;
	v2 =	vshrl.u32 v12, $0x10;
	v12 =	vand.u32 $0xFFFF, v12;
	v4 =	vld.idx.msk [tilespmem:v4+s18+$0x0], $0xffff  }
0xf3: {  	v5 =	vld.idx.msk [tilespmem:v5+s18+$0x0], $0xffff  }
0xf4: {  	v6 =	vld.idx.msk [tilespmem:v6+s18+$0x0], $0xffff;
	[tilespmem:s0+$0xFFFFFF90] =	vst v15  }
0xf5: {  	v7 =	vld.idx.msk [tilespmem:v7+s18+$0x0], $0xffff;
	[tilespmem:s0+$0x50] =	vst v17;
	s0 =	sadd.s32 $0x100, s0  }
0xf6: {  	v11 =	vld.idx.msk [tilespmem:v11+s18+$0x0], $0xffff;
	[tilespmem:s0+$0x60] =	vst v10  }
0xf7: {  	[tilespmem:s0+$0xFFFFFFA0] =	vst v3;
	v9 =	vld.idx.msk [tilespmem:v9+s18+$0x0], $0xffff  }
0xf8: {  	v3 =	vld.idx.msk [tilespmem:v12+s18+$0x0], $0xffff;
	[tilespmem:s0+$0xFFFFFFC0] =	vst v4  }
.Ltmp4:
0xf9: {  	v4 =	vld.idx.msk [tilespmem:v8+s18+$0x0], $0xffff;
	[tilespmem:s0+$0xFFFFFFE0] =	vst v5;
	(pc) =	sbr.rel @p1 .LBB2_11-.Ltmp4, $4  }
0xfa: {  	v5 =	vld.idx.msk [tilespmem:v13+s18+$0x0], $0xffff;
	[tilespmem:s0+$0x0] =	vst v6  }
0xfb: {  	v6 =	vld.idx.msk [tilespmem:v14+s18+$0x0], $0xffff;
	[tilespmem:s0+$0x20] =	vst v7  }
0xfc: {  	v7 =	vld.idx.msk [tilespmem:v16+s18+$0x0], $0xffff;
	[tilespmem:s0+$0x40] =	vst v11  }
0xfd: {  	s9 =	sadd.s32 $0x80, s9;
	v8 =	vld.idx.msk [tilespmem:v18+s18+$0x0], $0xffff;
	[tilespmem:s0+$0x70] =	vst v9  }
0xfe: {  	_ =	sdelay $0x2  }
0xff: {  	[tilespmem:s0+$0xFFFFFF80] =	vst v3  }
0x100: {  	[tilespmem:s0+$0xFFFFFFB0] =	vst v4;
	v1 =	vld.idx.msk [tilespmem:v1+s18+$0x0], $0xffff  }
0x101: {  	v2 =	vld.idx.msk [tilespmem:v2+s18+$0x0], $0xffff;
	[tilespmem:s0+$0xFFFFFFD0] =	vst v5  }
0x102: {  	[tilespmem:s0+$0xFFFFFFF0] =	vst v6  }
.Ltmp5:
0x103: {  	[tilespmem:s0+$0x10] =	vst v7;
	(pc) =	sbr.rel @p2 .LBB2_14-.Ltmp5, $4  }
0x104: {  	[tilespmem:s0+$0x30] =	vst v8  }
0x105: {  	s3 =	sadd.s32 s4, s3;
	[tilespmem:s0+$0x50] =	vst v1  }
0x106: {  	s10 =	sadd.s32 s2, s3;
	[tilespmem:s0+$0xFFFFFF90] =	vst v2  }
0x107: {  	[hbm4b:s10+s14] =	stream.strided.scatter [tilespmem:s24], [sflag:$0x6], $0x4000, s15, s14, $0x38;
	[tilespmem:$0x1E000] =	vst v63  }
0x108: {  	s0 =	sadd.s32 $0x3, s31  }
.Ltmp6:
0x109: {  	s2 =	sshll.u32 s0, $0x4;
	(pc) =	sbr.rel .LBB2_6-.Ltmp6, $4  }
0x10a: {  	s0 =	sshll.u32 s0, $0xB;
	s2 =	sand.u32 $0x70, s2  }
0x10b: {  	s0 =	sand.u32 $0xFFFC000, s0;
	s2 =	sadd.s32 s1, s2  }
0x10c: {  	s30 =	sadd.s32 $0x1, s30;
	s0 =	sadd.s32 s0, s2  }
0x10d: {  	[tilespmem:s18], [sflag:$0x3] =	stream.strided.gather [hbm4b:s0+s14], $0x4000, s15, s14, $0x38;
	[tilespmem:$0x1E000] =	vst v63  }
.LBB2_14:
0x10e: {  	_ =	swait.ge [sflag:s19], $0x4000  }
0x10f: {  	[sflag:s19] =	ssyncset.done $0x0  }
0x110: {  	[sflag:s19] =	ssyncadd.s32 $0xFFFFC000  }
0x111: {  	_ =	swait.ge [sflag:s25], $0x4000  }
0x112: {  	[sflag:s25] =	ssyncset.done $0x0  }
0x113: {  	s0 =	simm.s32 $0x4040;
	[sflag:s25] =	ssyncadd.s32 $0xFFFFC000  }
0x114: {  	v1 =	vld [tilespmem:s0+$0x30]  }
0x115: {  	v2 =	vld [tilespmem:s0+$0xFFFFFFD0]  }
0x116: {  	v3 =	vld [tilespmem:s0+$0xFFFFFFE0]  }
0x117: {  	v4 =	vld [tilespmem:s0+$0xFFFFFFF0]  }
0x118: {  	v5 =	vld [tilespmem:s0+$0x0]  }
0x119: {  	v6 =	vld [tilespmem:s0+$0x10];
	v7 =	vand.u32 $0xFFFF, v1  }
0x11a: {  	v9 =	vld [tilespmem:s0+$0x20];
	v8 =	vand.u32 $0xFFFF, v2  }
0x11b: {  	v11 =	vld [tilespmem:s0+$0xFFFFFFC0];
	v10 =	vand.u32 $0xFFFF, v3  }
0x11c: {  	v12 =	vand.u32 $0xFFFF, v4  }
0x11d: {  	v13 =	vand.u32 $0xFFFF, v5  }
0x11e: {  	v14 =	vand.u32 $0xFFFF, v6;
	v7 =	vld.idx.msk [tilespmem:v7+s16+$0x0], $0xffff  }
0x11f: {  	v15 =	vand.u32 $0xFFFF, v9;
	v8 =	vld.idx.msk [tilespmem:v8+s16+$0x0], $0xffff  }
0x120: {  	v16 =	vand.u32 $0xFFFF, v11;
	v10 =	vld.idx.msk [tilespmem:v10+s16+$0x0], $0xffff  }
0x121: {  	v1 =	vshrl.u32 v1, $0x10;
	v12 =	vld.idx.msk [tilespmem:v12+s16+$0x0], $0xffff  }
0x122: {  	v2 =	vshrl.u32 v2, $0x10;
	v13 =	vld.idx.msk [tilespmem:v13+s16+$0x0], $0xffff  }
0x123: {  	s0 =	simm.s32 $0x12080;
	v17 =	vshrl.u32 v3, $0x10;
	v14 =	vld.idx.msk [tilespmem:v14+s16+$0x0], $0xffff  }
0x124: {  	v18 =	vshrl.u32 v4, $0x10;
	v15 =	vld.idx.msk [tilespmem:v15+s16+$0x0], $0xffff;
	[tilespmem:s0+$0x60] =	vst v7  }
0x125: {  	v3 =	vld.idx.msk [tilespmem:v16+s16+$0x0], $0xffff;
	v7 =	vshrl.u32 v5, $0x10;
	[tilespmem:s0+$0xFFFFFFA0] =	vst v8  }
0x126: {  	v8 =	vshrl.u32 v6, $0x10;
	[tilespmem:s0+$0xFFFFFFC0] =	vst v10;
	v19 =	vld.idx.msk [tilespmem:v1+s16+$0x0], $0xffff  }
0x127: {  	[tilespmem:s0+$0xFFFFFFE0] =	vst v12;
	v4 =	vld.idx.msk [tilespmem:v2+s16+$0x0], $0xffff  }
0x128: {  	[tilespmem:s0+$0x0] =	vst v13;
	v5 =	vld.idx.msk [tilespmem:v17+s16+$0x0], $0xffff  }
0x129: {  	[tilespmem:s0+$0x20] =	vst v14;
	v6 =	vld.idx.msk [tilespmem:v18+s16+$0x0], $0xffff  }
0x12a: {  	[tilespmem:s0+$0x40] =	vst v15;
	v7 =	vld.idx.msk [tilespmem:v7+s16+$0x0], $0xffff  }
0x12b: {  	s2 =	simm.s32 $0x0;
	s3 =	simm.s32 $0x40C0;
	v1 =	vshrl.u32 v9, $0x10;
	v2 =	vshrl.u32 v11, $0x10;
	v8 =	vld.idx.msk [tilespmem:v8+s16+$0x0], $0xffff;
	[tilespmem:s0+$0x70] =	vst v19  }
.LBB2_15:
0x12c: {  	v9 =	vld [tilespmem:s3+$0x30];
	s2 =	sadd.s32 $0x100, s2;
	[tilespmem:s0+$0xFFFFFF80] =	vst v3  }
0x12d: {  	v3 =	vld [tilespmem:s3+$0xFFFFFFD0];
	p1 =	slt.u32 s2, $0x3F00;
	[tilespmem:s0+$0xFFFFFFB0] =	vst v4  }
0x12e: {  	v4 =	vld [tilespmem:s3+$0xFFFFFFE0];
	[tilespmem:s0+$0xFFFFFFD0] =	vst v5  }
0x12f: {  	v5 =	vld [tilespmem:s3+$0xFFFFFFF0];
	[tilespmem:s0+$0xFFFFFFF0] =	vst v6  }
0x130: {  	v6 =	vld [tilespmem:s3+$0x0];
	[tilespmem:s0+$0x10] =	vst v7  }
0x131: {  	v7 =	vld [tilespmem:s3+$0x10];
	v10 =	vand.u32 $0xFFFF, v9;
	[tilespmem:s0+$0x30] =	vst v8  }
0x132: {  	v8 =	vshrl.u32 v3, $0x10;
	v3 =	vand.u32 $0xFFFF, v3;
	v11 =	vld [tilespmem:s3+$0x20]  }
0x133: {  	v12 =	vld [tilespmem:s3+$0xFFFFFFC0];
	v13 =	vshrl.u32 v4, $0x10;
	v4 =	vand.u32 $0xFFFF, v4  }
0x134: {  	v14 =	vshrl.u32 v5, $0x10;
	v5 =	vand.u32 $0xFFFF, v5;
	v15 =	vld.idx.msk [tilespmem:v2+s16+$0x0], $0xffff  }
0x135: {  	v16 =	vshrl.u32 v6, $0x10;
	v6 =	vand.u32 $0xFFFF, v6;
	v17 =	vld.idx.msk [tilespmem:v1+s16+$0x0], $0xffff  }
0x136: {  	v18 =	vshrl.u32 v7, $0x10;
	v7 =	vand.u32 $0xFFFF, v7;
	v10 =	vld.idx.msk [tilespmem:v10+s16+$0x0], $0xffff  }
0x137: {  	v3 =	vld.idx.msk [tilespmem:v3+s16+$0x0], $0xffff;
	v1 =	vshrl.u32 v11, $0x10;
	v11 =	vand.u32 $0xFFFF, v11  }
0x138: {  	v9 =	vshrl.u32 v9, $0x10;
	v2 =	vshrl.u32 v12, $0x10;
	v12 =	vand.u32 $0xFFFF, v12;
	v4 =	vld.idx.msk [tilespmem:v4+s16+$0x0], $0xffff  }
0x139: {  	v5 =	vld.idx.msk [tilespmem:v5+s16+$0x0], $0xffff  }
0x13a: {  	v6 =	vld.idx.msk [tilespmem:v6+s16+$0x0], $0xffff;
	[tilespmem:s0+$0xFFFFFF90] =	vst v15  }
0x13b: {  	v7 =	vld.idx.msk [tilespmem:v7+s16+$0x0], $0xffff;
	[tilespmem:s0+$0x50] =	vst v17;
	s0 =	sadd.s32 $0x100, s0  }
0x13c: {  	v11 =	vld.idx.msk [tilespmem:v11+s16+$0x0], $0xffff;
	[tilespmem:s0+$0x60] =	vst v10  }
0x13d: {  	[tilespmem:s0+$0xFFFFFFA0] =	vst v3;
	v9 =	vld.idx.msk [tilespmem:v9+s16+$0x0], $0xffff  }
0x13e: {  	v3 =	vld.idx.msk [tilespmem:v12+s16+$0x0], $0xffff;
	[tilespmem:s0+$0xFFFFFFC0] =	vst v4  }
.Ltmp7:
0x13f: {  	v4 =	vld.idx.msk [tilespmem:v8+s16+$0x0], $0xffff;
	[tilespmem:s0+$0xFFFFFFE0] =	vst v5;
	(pc) =	sbr.rel @p1 .LBB2_15-.Ltmp7, $4  }
0x140: {  	v5 =	vld.idx.msk [tilespmem:v13+s16+$0x0], $0xffff;
	[tilespmem:s0+$0x0] =	vst v6  }
0x141: {  	v6 =	vld.idx.msk [tilespmem:v14+s16+$0x0], $0xffff;
	[tilespmem:s0+$0x20] =	vst v7  }
0x142: {  	v7 =	vld.idx.msk [tilespmem:v16+s16+$0x0], $0xffff;
	[tilespmem:s0+$0x40] =	vst v11  }
0x143: {  	s3 =	sadd.s32 $0x80, s3;
	v8 =	vld.idx.msk [tilespmem:v18+s16+$0x0], $0xffff;
	[tilespmem:s0+$0x70] =	vst v9  }
0x144: {  	_ =	sdelay $0x2  }
0x145: {  	[tilespmem:s0+$0xFFFFFF80] =	vst v3  }
0x146: {  	[tilespmem:s0+$0xFFFFFFB0] =	vst v4;
	v1 =	vld.idx.msk [tilespmem:v1+s16+$0x0], $0xffff  }
0x147: {  	v2 =	vld.idx.msk [tilespmem:v2+s16+$0x0], $0xffff;
	[tilespmem:s0+$0xFFFFFFD0] =	vst v5  }
0x148: {  	[tilespmem:s0+$0xFFFFFFF0] =	vst v6  }
0x149: {  	[tilespmem:s0+$0x10] =	vst v7  }
0x14a: {  	[tilespmem:s0+$0x30] =	vst v8  }
0x14b: {  	[tilespmem:s0+$0x50] =	vst v1  }
0x14c: {  	[tilespmem:s0+$0xFFFFFF90] =	vst v2  }
0x14d: {  	[hbm4b:s11+s14] =	stream.strided.scatter [tilespmem:s20], [sflag:$0x4], $0x4000, s15, s14, $0x38;
	[tilespmem:$0x1E000] =	vst v63  }
0x14e: {  	_ =	swait.ge [sflag:s25], $0x4000  }
0x14f: {  	[sflag:s25] =	ssyncset.done $0x0  }
0x150: {  	s29 =	sadd.s32 $0x1, s29;
	[sflag:s25] =	ssyncadd.s32 $0xFFFFC000  }
0x151: {  	p1 =	sne.s32 s29, s12;
	_ =	swait.ge [sflag:s26], $0x4000  }
.Ltmp8:
0x152: {  	[sflag:s26] =	ssyncset.done $0x0;
	(pc) =	sbr.rel @p1 .LBB2_1-.Ltmp8, $4  }
0x153: {  	[sflag:s26] =	ssyncadd.s32 $0xFFFFC000  }
0x154: {  	_ =	swait.ge [sflag:s28], $0x4000  }
0x155: {  	[sflag:s28] =	ssyncset.done $0x0  }
0x156: {  	[sflag:s28] =	ssyncadd.s32 $0xFFFFC000  }
0x157: {  	_ =	sfence.sel $0x180000  }
0x158: {  	[bflag:$0x0] =	sbarrier.arrive $0xFFFF  }
0x159: {  	_ =	strace $0x90000047  }
0x15a: {  	s0 =	stileid.u32;
	[bflag:$0x2] =	sbarrier.arrive $0xFFFF  }
0x15b: {  	p0 =	sne.s32 s0, $0x0;
	s0 =	rddreg [dreg:$0x4]  }
0x15c: {  	s0 =	sadd.s32 @!p0 $0x100000, s0  }
0x15d: {  	[sflag:s0] =	ssyncadd.tile.s32 @!p0 $0x1;
	_ =	shalt  }
.Lfunc_end2:
_tile_overlayer_lowered:
.L_overlay_start_2:
0x15e: {  	(tag) =	ssettag $0x2  }
0x15f: {  	s0 =	rddreg [dreg:$0x0];
	s2 =	stileid.u32  }
0x160: {  	s1 =	rddreg [dreg:$0x1];
	p0 =	sne.s32 s2, $0x0  }
0x161: {  	s3 =	rddreg [dreg:$0x2];
	[bflag:$0x3] =	sbarrier.arrive $0xFFFF;
	s2 =	simm.s32 @!p0 $0x1C07  }
0x162: {  	[timem:s3], [sflag:s2] =	dma.local @!p0 [hbm:s0], s1  }
0x163: {  	s0 =	simm.s32 @!p0 $0x7  }
0x164: {  	_ =	swait.ge @!p0 [sflag:s0], s1  }
0x165: {  	s1 =	ssub.s32 @!p0 $0x0, s1;
	[sflag:s0] =	ssyncset.done @!p0 $0x0  }
0x166: {  	[sflag:s0] =	ssyncadd.s32 @!p0 s1  }
0x167: {  	[bflag:$0x3] =	sbarrier.arrive $0xFFFF  }
0x168: {  	_ =	shalt  }

</sc_bundles>
